<compile_context>
chip_gen: v7x
topology: tpu7x:2x2x1
jax: 0.10.2.dev20260603
libtpu: 0.0.44.dev20260713+nightly
codegen_flags: <defaults>
</compile_context>

<pallas_src>
import functools

import jax
import jax.numpy as jnp
from jax import lax
from jax.experimental import pallas as pl
from jax.experimental.pallas import tpu as pltpu
from jax.experimental.pallas import tpu_sc as plsc

N = 10000
E = 320000
D_IN = 128
D_HID = 128
D_OUT = 64

NC = 2
NS = 16
NW = NC * NS

N_PAD = 10240
ROWS_PER_TILE = N_PAD // NS
E2 = E + N
CH = 128
NCHUNK = -(-E2 // (NW * CH))
E_PAD = NW * NCHUNK * CH

BLK = 1024
NBLK = N_PAD // BLK

_mesh = plsc.VectorSubcoreMesh(
    core_axis_name="c", subcore_axis_name="s", num_cores=NC, num_subcores=NS)


def _make_deg_kernel():

    @functools.partial(
        pl.kernel,
        out_type=jax.ShapeDtypeStruct((NC, N_PAD, 16), jnp.float32),
        mesh=_mesh,
        compiler_params=pltpu.CompilerParams(use_tc_tiling_on_sc=False),
        scratch_types=[
            pltpu.VMEM((NCHUNK, CH), jnp.int32),
            pltpu.VMEM((CH, 16), jnp.float32),
            pltpu.VMEM((CH, 16), jnp.float32),
            pltpu.VMEM_SHARED((N_PAD, 16), jnp.float32),
        ],
    )
    def deg_kernel(dst_hbm, out_hbm, dst_v, zeros_v, ones_v, acc_sh):
        c = lax.axis_index("c")
        s = lax.axis_index("s")
        wid = s * NC + c

        pltpu.sync_copy(dst_hbm.at[wid], dst_v)

        def fill(i, _):
            zeros_v[i, :] = jnp.zeros((16,), jnp.float32)
            ones_v[i, :] = jnp.ones((16,), jnp.float32)
            return 0
        lax.fori_loop(0, CH, fill, 0)

        def zero_acc(i, _):
            pltpu.sync_copy(
                zeros_v, acc_sh.at[pl.ds(s * ROWS_PER_TILE + i * CH, CH)])
            return 0
        lax.fori_loop(0, ROWS_PER_TILE // CH, zero_acc, 0)
        plsc.subcore_barrier()

        def body(j, _):
            pltpu.sync_copy(ones_v, acc_sh.at[dst_v.at[j]], add=True)
            return 0
        lax.fori_loop(0, NCHUNK, body, 0)
        plsc.subcore_barrier()

        base = s * ROWS_PER_TILE
        pltpu.sync_copy(acc_sh.at[pl.ds(base, ROWS_PER_TILE)],
                        out_hbm.at[c, pl.ds(base, ROWS_PER_TILE)])

    return deg_kernel


def _make_pass_kernel(d):

    @functools.partial(
        pl.kernel,
        out_type=jax.ShapeDtypeStruct((NC, N_PAD, d), jnp.float32),
        mesh=_mesh,
        compiler_params=pltpu.CompilerParams(use_tc_tiling_on_sc=False),
        scratch_types=[
            pltpu.VMEM((NCHUNK, CH), jnp.int32),
            pltpu.VMEM((NCHUNK, CH), jnp.int32),
            pltpu.VMEM((CH, d), jnp.float32),
            pltpu.VMEM_SHARED((N_PAD, d), jnp.float32),
            pltpu.SemaphoreType.DMA,
        ],
    )
    def pass_kernel(src_hbm, dst_hbm, table_hbm, out_hbm,
                    src_v, dst_v, rows_v, acc_sh, sem):
        c = lax.axis_index("c")
        s = lax.axis_index("s")
        wid = s * NC + c

        pltpu.sync_copy(src_hbm.at[wid], src_v)
        pltpu.sync_copy(dst_hbm.at[wid], dst_v)

        def fill_zero(i, _):
            r = i // (d // 16)
            k = i % (d // 16)
            rows_v[r, pl.ds(k * 16, 16)] = jnp.zeros((16,), jnp.float32)
            return 0
        lax.fori_loop(0, CH * (d // 16), fill_zero, 0)

        def zero_acc(i, _):
            pltpu.sync_copy(
                rows_v, acc_sh.at[pl.ds(s * ROWS_PER_TILE + i * CH, CH)])
            return 0
        lax.fori_loop(0, ROWS_PER_TILE // CH, zero_acc, 0)
        plsc.subcore_barrier()

        def body(j, _):
            pltpu.async_copy(table_hbm.at[src_v.at[j]], rows_v, sem).wait()
            pltpu.sync_copy(rows_v, acc_sh.at[dst_v.at[j]], add=True)
            return 0
        lax.fori_loop(0, NCHUNK, body, 0)
        plsc.subcore_barrier()

        base = s * ROWS_PER_TILE
        pltpu.sync_copy(acc_sh.at[pl.ds(base, ROWS_PER_TILE)],
                        out_hbm.at[c, pl.ds(base, ROWS_PER_TILE)])

    return pass_kernel


def _dinv_from_degp(degp):
    deg = degp[0] + degp[1]
    deg = deg[:, 0:1]
    return jnp.where(deg > 0, lax.rsqrt(deg), 0.0)


def _scale_mm_body(degp_ref, x_ref, w_ref, out_ref):
    dinv = _dinv_from_degp(degp_ref[...])
    h = jnp.dot(x_ref[...], w_ref[...], preferred_element_type=jnp.float32)
    out_ref[...] = h * dinv


def _combine_relu_mm_body(degp_ref, acc_ref, b_ref, w_ref, out_ref):
    dinv = _dinv_from_degp(degp_ref[...])
    agg = acc_ref[0] + acc_ref[1]
    t = jnp.maximum(agg * dinv + b_ref[...], 0.0)
    h = jnp.dot(t, w_ref[...], preferred_element_type=jnp.float32)
    out_ref[...] = h * dinv


def _combine_body(degp_ref, acc_ref, b_ref, out_ref):
    dinv = _dinv_from_degp(degp_ref[...])
    agg = acc_ref[0] + acc_ref[1]
    out_ref[...] = agg * dinv + b_ref[...]


def _degp_spec():
    return pl.BlockSpec((NC, BLK, 16), lambda i: (0, i, 0))


def _rows_spec(d):
    return pl.BlockSpec((BLK, d), lambda i: (i, 0))


def _accp_spec(d):
    return pl.BlockSpec((NC, BLK, d), lambda i: (0, i, 0))


def _full_spec(shape):
    return pl.BlockSpec(shape, lambda i: tuple(0 for _ in shape))


def kernel(x, edge_index, W1, b1, W2, b2):
    src = edge_index[0]
    dst = edge_index[1]
    loop = jnp.arange(N, dtype=src.dtype)
    pad = E_PAD - E2
    src3 = jnp.concatenate(
        [src, loop, jnp.full((pad,), N, src.dtype)]).reshape(NW, NCHUNK, CH)
    dst3 = jnp.concatenate(
        [dst, loop, jnp.full((pad,), N, dst.dtype)]).reshape(NW, NCHUNK, CH)
    x_pad = jnp.pad(x, ((0, N_PAD - N), (0, 0)))
    b1r = b1.reshape(1, D_HID)
    b2r = b2.reshape(1, D_OUT)

    degp = _make_deg_kernel()(dst3)

    hn1 = pl.pallas_call(
        _scale_mm_body,
        grid=(NBLK,),
        in_specs=[_degp_spec(), _rows_spec(D_IN), _full_spec((D_IN, D_HID))],
        out_specs=_rows_spec(D_HID),
        out_shape=jax.ShapeDtypeStruct((N_PAD, D_HID), jnp.float32),
    )(degp, x_pad, W1)

    acc1 = _make_pass_kernel(D_HID)(src3, dst3, hn1)

    hn2 = pl.pallas_call(
        _combine_relu_mm_body,
        grid=(NBLK,),
        in_specs=[_degp_spec(), _accp_spec(D_HID), _full_spec((1, D_HID)),
                  _full_spec((D_HID, D_OUT))],
        out_specs=_rows_spec(D_OUT),
        out_shape=jax.ShapeDtypeStruct((N_PAD, D_OUT), jnp.float32),
    )(degp, acc1, b1r, W2)

    acc2 = _make_pass_kernel(D_OUT)(src3, dst3, hn2)

    zf = pl.pallas_call(
        _combine_body,
        grid=(NBLK,),
        in_specs=[_degp_spec(), _accp_spec(D_OUT), _full_spec((1, D_OUT))],
        out_specs=_rows_spec(D_OUT),
        out_shape=jax.ShapeDtypeStruct((N_PAD, D_OUT), jnp.float32),
    )(degp, acc2, b2r)

    return zf[:N]

# --- scband reference (transcript-rebuilt; emitter-appended) ---
"""Pipeline reference for scband-gae-68238440399297 (READ-ONLY COPY).

The authoritative reference and input builder live on the scoring server;
editing this copy changes nothing except your own understanding.
"""

import jax, jax.numpy as jnp
import numpy as np

N = 10000
E = 320000
D_IN = 128
D_HID = 128
D_OUT = 64


def _glorot(key, fan_in, fan_out):
    limit = jnp.sqrt(6.0 / (fan_in + fan_out))
    return jax.random.uniform(key, (fan_in, fan_out), dtype=jnp.float32, minval=-limit, maxval=limit)


def setup_inputs(seed: int = 0) -> dict:
    key = jax.random.key(seed)
    k1, k2, k3, k4 = jax.random.split(key, 4)
    x = jax.random.normal(k1, (N, D_IN), dtype=jnp.float32)
    edge_index = jax.random.randint(k2, (2, E), 0, N, dtype=jnp.int32)
    W1 = _glorot(k3, D_IN, D_HID)
    b1 = jnp.zeros((D_HID,), dtype=jnp.float32)
    W2 = _glorot(k4, D_HID, D_OUT)
    b2 = jnp.zeros((D_OUT,), dtype=jnp.float32)
    return {"x": x, "edge_index": edge_index, "W1": W1, "b1": b1, "W2": W2, "b2": b2}


def _gcn_conv(x, W, b, src, dst, num_nodes):
    # add self loops
    loop = jnp.arange(num_nodes, dtype=src.dtype)
    src2 = jnp.concatenate([src, loop])
    dst2 = jnp.concatenate([dst, loop])
    # symmetric normalization D^{-1/2} (A+I) D^{-1/2}
    ones = jnp.ones((src2.shape[0],), dtype=jnp.float32)
    deg = jax.ops.segment_sum(ones, dst2, num_segments=num_nodes)
    deg_inv_sqrt = jnp.where(deg > 0, jax.lax.rsqrt(deg), 0.0)
    norm = deg_inv_sqrt[src2] * deg_inv_sqrt[dst2]
    h = x @ W
    msg = h[src2] * norm[:, None]
    out = jax.ops.segment_sum(msg, dst2, num_segments=num_nodes)
    return out + b


def reference(x, edge_index, W1, b1, W2, b2):
    # GAE forward == encoder forward: 2-layer GCN producing latent z
    src = edge_index[0]
    dst = edge_index[1]
    h = _gcn_conv(x, W1, b1, src, dst, N)
    h = jax.nn.relu(h)
    # dropout is a no-op at inference (training=False)
    z = _gcn_conv(h, W2, b2, src, dst, N)
    return z

if __name__ == "__main__":
    import jax
    _d = setup_inputs()
    print(jax.jit(kernel)(*tuple(_d.values())))

</pallas_src>

<mosaic_0001>
#map = affine_map<(d0, d1) -> (0, 0, 0)>
module attributes {stable_mosaic.version = 14 : i64} {
  func.func @deg_kernel(%arg0: i32, %arg1: i32, %arg2: memref<32x81x128xi32, #tpu.memory_space<hbm>>, %arg3: memref<2x10240x16xf32, #tpu.memory_space<hbm>>, %arg4: memref<81x128xi32, #tpu.memory_space<vmem>>, %arg5: memref<128x16xf32, #tpu.memory_space<vmem>>, %arg6: memref<128x16xf32, #tpu.memory_space<vmem>>, %arg7: memref<10240x16xf32, #tpu.memory_space<vmem_shared>>) attributes {dimension_semantics = [#tpu.dimension_semantics<core_parallel>, #tpu.dimension_semantics<subcore_parallel>], iteration_bounds = array<i64: 2, 16>, scalar_prefetch = 0 : i64, scratch_operands = 4 : i64, tpu.core_type = #tpu.core_type<sc_vector_subcore>, window_params = [{transform_indices = #map}, {transform_indices = #map}]} {
    %mul3A = arith.constant 2 : i32
    %mul3A_0 = arith.muli %arg1, %mul3A : i32
    %add3A = arith.addi %mul3A_0, %arg0 : i32
    "tpu.region"() ({
      %run_scoped3A = tpu.sem_alloc : memref<!tpu.dma_semaphore, #tpu.memory_space<semaphore_mem>>
      %dma_start3A = arith.constant 0 : i32
      %dma_start3A_24 = arith.constant 0 : i32
      %dma_start3A_25 = tpu.memref_slice %arg2[%add3A, %dma_start3A, %dma_start3A_24] : memref<32x81x128xi32, #tpu.memory_space<hbm>> -> memref<1x81x128xi32, #tpu.memory_space<hbm>>
      %dma_start3A_26 = tpu.memref_squeeze %dma_start3A_25 : memref<1x81x128xi32, #tpu.memory_space<hbm>> -> memref<81x128xi32, #tpu.memory_space<hbm>>
      %dma_start3A_27 = arith.constant 0 : i32
      %dma_start3A_28 = arith.constant 0 : i32
      %dma_start3A_29 = tpu.memref_slice %arg2[%add3A, %dma_start3A_27, %dma_start3A_28] : memref<32x81x128xi32, #tpu.memory_space<hbm>> -> memref<1x81x128xi32, #tpu.memory_space<hbm>>
      %dma_start3A_30 = tpu.memref_squeeze %dma_start3A_29 : memref<1x81x128xi32, #tpu.memory_space<hbm>> -> memref<81x128xi32, #tpu.memory_space<hbm>>
      tpu.enqueue_dma source(%dma_start3A_30 : memref<81x128xi32, #tpu.memory_space<hbm>>) target(%arg4 : memref<81x128xi32, #tpu.memory_space<vmem>>) target_semaphore(%run_scoped3A : memref<!tpu.dma_semaphore, #tpu.memory_space<semaphore_mem>>)
      %dma_wait3A = arith.constant 0 : i32
      %dma_wait3A_31 = arith.constant 0 : i32
      %dma_wait3A_32 = tpu.memref_slice %arg2[%add3A, %dma_wait3A, %dma_wait3A_31] : memref<32x81x128xi32, #tpu.memory_space<hbm>> -> memref<1x81x128xi32, #tpu.memory_space<hbm>>
      %dma_wait3A_33 = tpu.memref_squeeze %dma_wait3A_32 : memref<1x81x128xi32, #tpu.memory_space<hbm>> -> memref<81x128xi32, #tpu.memory_space<hbm>>
      %dma_wait3A_34 = arith.constant 0 : i32
      %dma_wait3A_35 = arith.constant 0 : i32
      %dma_wait3A_36 = tpu.memref_slice %arg2[%add3A, %dma_wait3A_34, %dma_wait3A_35] : memref<32x81x128xi32, #tpu.memory_space<hbm>> -> memref<1x81x128xi32, #tpu.memory_space<hbm>>
      %dma_wait3A_37 = tpu.memref_squeeze %dma_wait3A_36 : memref<1x81x128xi32, #tpu.memory_space<hbm>> -> memref<81x128xi32, #tpu.memory_space<hbm>>
      tpu.wait_dma2 semaphore(%run_scoped3A : memref<!tpu.dma_semaphore, #tpu.memory_space<semaphore_mem>>) src(%dma_wait3A_37 : memref<81x128xi32, #tpu.memory_space<hbm>>) dst(%arg4 : memref<81x128xi32, #tpu.memory_space<vmem>>)
      tpu.yield
    }) : () -> ()
    %scan3A = arith.constant 0 : i32
    %scan3A_1 = arith.constant 0 : i32
    %scan3A_2 = arith.constant 128 : i32
    %scan3A_3 = arith.addi %scan3A_1, %scan3A_2 : i32
    %scan3A_4 = arith.constant 1 : i32
    %scan3A_5 = scf.for %scan3A_24 = %scan3A_1 to %scan3A_3 step %scan3A_4 iter_args(%scan3A_25 = %scan3A) -> (i32)  : i32 {
      %broadcast_in_dim3A = arith.constant 0.000000e+00 : f32
      %broadcast_in_dim3A_26 = vector.broadcast %broadcast_in_dim3A : f32 to vector<16xf32>
      %swap3A = arith.index_cast %scan3A_24 : i32 to index
      %swap3A_27 = arith.constant 0 : index
      %swap3A_28 = tpu.vector_load %arg5[%swap3A, %swap3A_27] {strides = array<i32>} : memref<128x16xf32, #tpu.memory_space<vmem>>, vector<1x16xf32>,
      %swap3A_29 = vector.shape_cast %swap3A_28 : vector<1x16xf32> to vector<16xf32>
      %swap3A_30 = vector.shape_cast %broadcast_in_dim3A_26 : vector<16xf32> to vector<1x16xf32>
      tpu.vector_store %arg5[%swap3A, %swap3A_27], %swap3A_30 {strides = array<i32>} : memref<128x16xf32, #tpu.memory_space<vmem>>, vector<1x16xf32>,
      %broadcast_in_dim3A_31 = arith.constant 1.000000e+00 : f32
      %broadcast_in_dim3A_32 = vector.broadcast %broadcast_in_dim3A_31 : f32 to vector<16xf32>
      %swap3A_33 = arith.index_cast %scan3A_24 : i32 to index
      %swap3A_34 = arith.constant 0 : index
      %swap3A_35 = tpu.vector_load %arg6[%swap3A_33, %swap3A_34] {strides = array<i32>} : memref<128x16xf32, #tpu.memory_space<vmem>>, vector<1x16xf32>,
      %swap3A_36 = vector.shape_cast %swap3A_35 : vector<1x16xf32> to vector<16xf32>
      %swap3A_37 = vector.shape_cast %broadcast_in_dim3A_32 : vector<16xf32> to vector<1x16xf32>
      tpu.vector_store %arg6[%swap3A_33, %swap3A_34], %swap3A_37 {strides = array<i32>} : memref<128x16xf32, #tpu.memory_space<vmem>>, vector<1x16xf32>,
      %scan3A_38 = arith.constant 0 : i32
      scf.yield %scan3A_38 : i32
    }
    %scan3A_6 = arith.constant 128 : i32
    %scan3A_7 = arith.constant 0 : i32
    %scan3A_8 = arith.constant 0 : i32
    %scan3A_9 = arith.constant 5 : i32
    %scan3A_10 = arith.addi %scan3A_8, %scan3A_9 : i32
    %scan3A_11 = arith.constant 1 : i32
    %scan3A_12 = scf.for %scan3A_24 = %scan3A_8 to %scan3A_10 step %scan3A_11 iter_args(%scan3A_25 = %scan3A_7) -> (i32)  : i32 {
      %mul3A_26 = arith.constant 640 : i32
      %mul3A_27 = arith.muli %arg1, %mul3A_26 : i32
      %mul3A_28 = arith.constant 128 : i32
      %mul3A_29 = arith.muli %scan3A_24, %mul3A_28 : i32
      %add3A_30 = arith.addi %mul3A_27, %mul3A_29 : i32
      "tpu.region"() ({
        %run_scoped3A = tpu.sem_alloc : memref<!tpu.dma_semaphore, #tpu.memory_space<semaphore_mem>>
        %dma_start3A = arith.constant 0 : i32
        %dma_start3A_32 = tpu.memref_slice %arg7[%add3A_30, %dma_start3A] : memref<10240x16xf32, #tpu.memory_space<vmem_shared>> -> memref<128x16xf32, #tpu.memory_space<vmem_shared>>
        %dma_start3A_33 = arith.constant 0 : i32
        %dma_start3A_34 = tpu.memref_slice %arg7[%add3A_30, %dma_start3A_33] : memref<10240x16xf32, #tpu.memory_space<vmem_shared>> -> memref<128x16xf32, #tpu.memory_space<vmem_shared>>
        tpu.enqueue_dma source(%arg5 : memref<128x16xf32, #tpu.memory_space<vmem>>) target(%dma_start3A_34 : memref<128x16xf32, #tpu.memory_space<vmem_shared>>) target_semaphore(%run_scoped3A : memref<!tpu.dma_semaphore, #tpu.memory_space<semaphore_mem>>)
        %dma_wait3A = arith.constant 0 : i32
        %dma_wait3A_35 = tpu.memref_slice %arg7[%add3A_30, %dma_wait3A] : memref<10240x16xf32, #tpu.memory_space<vmem_shared>> -> memref<128x16xf32, #tpu.memory_space<vmem_shared>>
        %dma_wait3A_36 = arith.constant 0 : i32
        %dma_wait3A_37 = tpu.memref_slice %arg7[%add3A_30, %dma_wait3A_36] : memref<10240x16xf32, #tpu.memory_space<vmem_shared>> -> memref<128x16xf32, #tpu.memory_space<vmem_shared>>
        tpu.wait_dma2 semaphore(%run_scoped3A : memref<!tpu.dma_semaphore, #tpu.memory_space<semaphore_mem>>) src(%arg5 : memref<128x16xf32, #tpu.memory_space<vmem>>) dst(%dma_wait3A_37 : memref<128x16xf32, #tpu.memory_space<vmem_shared>>)
        tpu.yield
      }) : () -> ()
      %scan3A_31 = arith.constant 0 : i32
      scf.yield %scan3A_31 : i32
    }
    %scan3A_13 = arith.constant 5 : i32
    %barrier3A = arith.constant 0 : index
    tpu.barrier barrier_id(%barrier3A)
    %scan3A_14 = arith.constant 0 : i32
    %scan3A_15 = arith.constant 0 : i32
    %scan3A_16 = arith.constant 81 : i32
    %scan3A_17 = arith.addi %scan3A_15, %scan3A_16 : i32
    %scan3A_18 = arith.constant 1 : i32
    %scan3A_19 = scf.for %scan3A_24 = %scan3A_15 to %scan3A_17 step %scan3A_18 iter_args(%scan3A_25 = %scan3A_14) -> (i32)  : i32 {
      "tpu.region"() ({
        %run_scoped3A = tpu.sem_alloc : memref<!tpu.dma_semaphore, #tpu.memory_space<semaphore_mem>>
        %dma_start3A = arith.constant 0 : i32
        %dma_start3A_27 = tpu.memref_slice %arg4[%scan3A_24, %dma_start3A] : memref<81x128xi32, #tpu.memory_space<vmem>> -> memref<1x128xi32, #tpu.memory_space<vmem>>
        %dma_start3A_28 = tpu.memref_squeeze %dma_start3A_27 : memref<1x128xi32, #tpu.memory_space<vmem>> -> memref<128xi32, #tpu.memory_space<vmem>>
        %dma_start3A_29 = arith.constant 0 : i32
        %dma_start3A_30 = arith.constant 0 : i32
        %dma_start3A_31 = tpu.memref_slice %arg7[%dma_start3A_29, %dma_start3A_30] : memref<10240x16xf32, #tpu.memory_space<vmem_shared>> -> memref<10240x16xf32, #tpu.memory_space<vmem_shared>>
        tpu.enqueue_indirect_dma source(%arg6 : memref<128x16xf32, #tpu.memory_space<vmem>>) target(%dma_start3A_31 : memref<10240x16xf32, #tpu.memory_space<vmem_shared>>) offsets(%dma_start3A_28 : memref<128xi32, #tpu.memory_space<vmem>>) semaphore(%run_scoped3A : memref<!tpu.dma_semaphore, #tpu.memory_space<semaphore_mem>>) {add = true}
        %dma_wait3A = arith.constant 0 : i32
        %dma_wait3A_32 = tpu.memref_slice %arg4[%scan3A_24, %dma_wait3A] : memref<81x128xi32, #tpu.memory_space<vmem>> -> memref<1x128xi32, #tpu.memory_space<vmem>>
        %dma_wait3A_33 = tpu.memref_squeeze %dma_wait3A_32 : memref<1x128xi32, #tpu.memory_space<vmem>> -> memref<128xi32, #tpu.memory_space<vmem>>
        %dma_wait3A_34 = arith.constant 0 : i32
        %dma_wait3A_35 = arith.constant 0 : i32
        %dma_wait3A_36 = tpu.memref_slice %arg7[%dma_wait3A_34, %dma_wait3A_35] : memref<10240x16xf32, #tpu.memory_space<vmem_shared>> -> memref<10240x16xf32, #tpu.memory_space<vmem_shared>>
        tpu.wait_indirect_dma semaphore(%run_scoped3A : memref<!tpu.dma_semaphore, #tpu.memory_space<semaphore_mem>>) src(%arg6 : memref<128x16xf32, #tpu.memory_space<vmem>>) dst(%dma_wait3A_36 : memref<10240x16xf32, #tpu.memory_space<vmem_shared>>)
        tpu.yield
      }) : () -> ()
      %scan3A_26 = arith.constant 0 : i32
      scf.yield %scan3A_26 : i32
    }
    %scan3A_20 = arith.constant 81 : i32
    %barrier3A_21 = arith.constant 0 : index
    tpu.barrier barrier_id(%barrier3A_21)
    %mul3A_22 = arith.constant 640 : i32
    %mul3A_23 = arith.muli %arg1, %mul3A_22 : i32
    "tpu.region"() ({
      %run_scoped3A = tpu.sem_alloc : memref<!tpu.dma_semaphore, #tpu.memory_space<semaphore_mem>>
      %dma_start3A = arith.constant 0 : i32
      %dma_start3A_24 = tpu.memref_slice %arg3[%arg0, %mul3A_23, %dma_start3A] : memref<2x10240x16xf32, #tpu.memory_space<hbm>> -> memref<1x640x16xf32, #tpu.memory_space<hbm>>
      %dma_start3A_25 = tpu.memref_squeeze %dma_start3A_24 : memref<1x640x16xf32, #tpu.memory_space<hbm>> -> memref<640x16xf32, #tpu.memory_space<hbm>>
      %dma_start3A_26 = arith.constant 0 : i32
      %dma_start3A_27 = tpu.memref_slice %arg7[%mul3A_23, %dma_start3A_26] : memref<10240x16xf32, #tpu.memory_space<vmem_shared>> -> memref<640x16xf32, #tpu.memory_space<vmem_shared>>
      tpu.enqueue_dma source(%dma_start3A_27 : memref<640x16xf32, #tpu.memory_space<vmem_shared>>) target(%dma_start3A_25 : memref<640x16xf32, #tpu.memory_space<hbm>>) target_semaphore(%run_scoped3A : memref<!tpu.dma_semaphore, #tpu.memory_space<semaphore_mem>>)
      %dma_wait3A = arith.constant 0 : i32
      %dma_wait3A_28 = tpu.memref_slice %arg3[%arg0, %mul3A_23, %dma_wait3A] : memref<2x10240x16xf32, #tpu.memory_space<hbm>> -> memref<1x640x16xf32, #tpu.memory_space<hbm>>
      %dma_wait3A_29 = tpu.memref_squeeze %dma_wait3A_28 : memref<1x640x16xf32, #tpu.memory_space<hbm>> -> memref<640x16xf32, #tpu.memory_space<hbm>>
      %dma_wait3A_30 = arith.constant 0 : i32
      %dma_wait3A_31 = tpu.memref_slice %arg7[%mul3A_23, %dma_wait3A_30] : memref<10240x16xf32, #tpu.memory_space<vmem_shared>> -> memref<640x16xf32, #tpu.memory_space<vmem_shared>>
      tpu.wait_dma2 semaphore(%run_scoped3A : memref<!tpu.dma_semaphore, #tpu.memory_space<semaphore_mem>>) src(%dma_wait3A_31 : memref<640x16xf32, #tpu.memory_space<vmem_shared>>) dst(%dma_wait3A_29 : memref<640x16xf32, #tpu.memory_space<hbm>>)
      tpu.yield
    }) : () -> ()
    return
  }
}

#map = affine_map<(d0, d1) -> (0, 0, 0)>
#map1 = affine_map<(d0, d1) -> (0, 0)>
module attributes {stable_mosaic.version = 14 : i64} {
  func.func @pass_kernel(%arg0: i32, %arg1: i32, %arg2: memref<32x81x128xi32, #tpu.memory_space<hbm>>, %arg3: memref<32x81x128xi32, #tpu.memory_space<hbm>>, %arg4: memref<10240x128xf32, #tpu.memory_space<hbm>>, %arg5: memref<2x10240x128xf32, #tpu.memory_space<hbm>>, %arg6: memref<81x128xi32, #tpu.memory_space<vmem>>, %arg7: memref<81x128xi32, #tpu.memory_space<vmem>>, %arg8: memref<128x128xf32, #tpu.memory_space<vmem>>, %arg9: memref<10240x128xf32, #tpu.memory_space<vmem_shared>>, %arg10: memref<!tpu.dma_semaphore, #tpu.memory_space<semaphore_mem>>) attributes {dimension_semantics = [#tpu.dimension_semantics<core_parallel>, #tpu.dimension_semantics<subcore_parallel>], iteration_bounds = array<i64: 2, 16>, scalar_prefetch = 0 : i64, scratch_operands = 5 : i64, tpu.core_type = #tpu.core_type<sc_vector_subcore>, window_params = [{transform_indices = #map}, {transform_indices = #map}, {transform_indices = #map1}, {transform_indices = #map}]} {
    %mul3A = arith.constant 2 : i32
    %mul3A_0 = arith.muli %arg1, %mul3A : i32
    %add3A = arith.addi %mul3A_0, %arg0 : i32
    "tpu.region"() ({
      %run_scoped3A = tpu.sem_alloc : memref<!tpu.dma_semaphore, #tpu.memory_space<semaphore_mem>>
      %dma_start3A = arith.constant 0 : i32
      %dma_start3A_24 = arith.constant 0 : i32
      %dma_start3A_25 = tpu.memref_slice %arg2[%add3A, %dma_start3A, %dma_start3A_24] : memref<32x81x128xi32, #tpu.memory_space<hbm>> -> memref<1x81x128xi32, #tpu.memory_space<hbm>>
      %dma_start3A_26 = tpu.memref_squeeze %dma_start3A_25 : memref<1x81x128xi32, #tpu.memory_space<hbm>> -> memref<81x128xi32, #tpu.memory_space<hbm>>
      %dma_start3A_27 = arith.constant 0 : i32
      %dma_start3A_28 = arith.constant 0 : i32
      %dma_start3A_29 = tpu.memref_slice %arg2[%add3A, %dma_start3A_27, %dma_start3A_28] : memref<32x81x128xi32, #tpu.memory_space<hbm>> -> memref<1x81x128xi32, #tpu.memory_space<hbm>>
      %dma_start3A_30 = tpu.memref_squeeze %dma_start3A_29 : memref<1x81x128xi32, #tpu.memory_space<hbm>> -> memref<81x128xi32, #tpu.memory_space<hbm>>
      tpu.enqueue_dma source(%dma_start3A_30 : memref<81x128xi32, #tpu.memory_space<hbm>>) target(%arg6 : memref<81x128xi32, #tpu.memory_space<vmem>>) target_semaphore(%run_scoped3A : memref<!tpu.dma_semaphore, #tpu.memory_space<semaphore_mem>>)
      %dma_wait3A = arith.constant 0 : i32
      %dma_wait3A_31 = arith.constant 0 : i32
      %dma_wait3A_32 = tpu.memref_slice %arg2[%add3A, %dma_wait3A, %dma_wait3A_31] : memref<32x81x128xi32, #tpu.memory_space<hbm>> -> memref<1x81x128xi32, #tpu.memory_space<hbm>>
      %dma_wait3A_33 = tpu.memref_squeeze %dma_wait3A_32 : memref<1x81x128xi32, #tpu.memory_space<hbm>> -> memref<81x128xi32, #tpu.memory_space<hbm>>
      %dma_wait3A_34 = arith.constant 0 : i32
      %dma_wait3A_35 = arith.constant 0 : i32
      %dma_wait3A_36 = tpu.memref_slice %arg2[%add3A, %dma_wait3A_34, %dma_wait3A_35] : memref<32x81x128xi32, #tpu.memory_space<hbm>> -> memref<1x81x128xi32, #tpu.memory_space<hbm>>
      %dma_wait3A_37 = tpu.memref_squeeze %dma_wait3A_36 : memref<1x81x128xi32, #tpu.memory_space<hbm>> -> memref<81x128xi32, #tpu.memory_space<hbm>>
      tpu.wait_dma2 semaphore(%run_scoped3A : memref<!tpu.dma_semaphore, #tpu.memory_space<semaphore_mem>>) src(%dma_wait3A_37 : memref<81x128xi32, #tpu.memory_space<hbm>>) dst(%arg6 : memref<81x128xi32, #tpu.memory_space<vmem>>)
      tpu.yield
    }) : () -> ()
    "tpu.region"() ({
      %run_scoped3A = tpu.sem_alloc : memref<!tpu.dma_semaphore, #tpu.memory_space<semaphore_mem>>
      %dma_start3A = arith.constant 0 : i32
      %dma_start3A_24 = arith.constant 0 : i32
      %dma_start3A_25 = tpu.memref_slice %arg3[%add3A, %dma_start3A, %dma_start3A_24] : memref<32x81x128xi32, #tpu.memory_space<hbm>> -> memref<1x81x128xi32, #tpu.memory_space<hbm>>
      %dma_start3A_26 = tpu.memref_squeeze %dma_start3A_25 : memref<1x81x128xi32, #tpu.memory_space<hbm>> -> memref<81x128xi32, #tpu.memory_space<hbm>>
      %dma_start3A_27 = arith.constant 0 : i32
      %dma_start3A_28 = arith.constant 0 : i32
      %dma_start3A_29 = tpu.memref_slice %arg3[%add3A, %dma_start3A_27, %dma_start3A_28] : memref<32x81x128xi32, #tpu.memory_space<hbm>> -> memref<1x81x128xi32, #tpu.memory_space<hbm>>
      %dma_start3A_30 = tpu.memref_squeeze %dma_start3A_29 : memref<1x81x128xi32, #tpu.memory_space<hbm>> -> memref<81x128xi32, #tpu.memory_space<hbm>>
      tpu.enqueue_dma source(%dma_start3A_30 : memref<81x128xi32, #tpu.memory_space<hbm>>) target(%arg7 : memref<81x128xi32, #tpu.memory_space<vmem>>) target_semaphore(%run_scoped3A : memref<!tpu.dma_semaphore, #tpu.memory_space<semaphore_mem>>)
      %dma_wait3A = arith.constant 0 : i32
      %dma_wait3A_31 = arith.constant 0 : i32
      %dma_wait3A_32 = tpu.memref_slice %arg3[%add3A, %dma_wait3A, %dma_wait3A_31] : memref<32x81x128xi32, #tpu.memory_space<hbm>> -> memref<1x81x128xi32, #tpu.memory_space<hbm>>
      %dma_wait3A_33 = tpu.memref_squeeze %dma_wait3A_32 : memref<1x81x128xi32, #tpu.memory_space<hbm>> -> memref<81x128xi32, #tpu.memory_space<hbm>>
      %dma_wait3A_34 = arith.constant 0 : i32
      %dma_wait3A_35 = arith.constant 0 : i32
      %dma_wait3A_36 = tpu.memref_slice %arg3[%add3A, %dma_wait3A_34, %dma_wait3A_35] : memref<32x81x128xi32, #tpu.memory_space<hbm>> -> memref<1x81x128xi32, #tpu.memory_space<hbm>>
      %dma_wait3A_37 = tpu.memref_squeeze %dma_wait3A_36 : memref<1x81x128xi32, #tpu.memory_space<hbm>> -> memref<81x128xi32, #tpu.memory_space<hbm>>
      tpu.wait_dma2 semaphore(%run_scoped3A : memref<!tpu.dma_semaphore, #tpu.memory_space<semaphore_mem>>) src(%dma_wait3A_37 : memref<81x128xi32, #tpu.memory_space<hbm>>) dst(%arg7 : memref<81x128xi32, #tpu.memory_space<vmem>>)
      tpu.yield
    }) : () -> ()
    %scan3A = arith.constant 0 : i32
    %scan3A_1 = arith.constant 0 : i32
    %scan3A_2 = arith.constant 1024 : i32
    %scan3A_3 = arith.addi %scan3A_1, %scan3A_2 : i32
    %scan3A_4 = arith.constant 1 : i32
    %scan3A_5 = scf.for %scan3A_24 = %scan3A_1 to %scan3A_3 step %scan3A_4 iter_args(%scan3A_25 = %scan3A) -> (i32)  : i32 {
      %jit3A = arith.constant 8 : i32
      %div3A = arith.divsi %scan3A_24, %jit3A : i32
      %sign3A = arith.constant 0 : i32
      %sign3A_26 = arith.cmpi sgt, %scan3A_24, %sign3A : i32
      %sign3A_27 = arith.extui %sign3A_26 : i1 to i32
      %sign3A_28 = arith.constant 0 : i32
      %sign3A_29 = arith.cmpi slt, %scan3A_24, %sign3A_28 : i32
      %sign3A_30 = arith.extui %sign3A_29 : i1 to i32
      %sign3A_31 = arith.subi %sign3A_27, %sign3A_30 : i32
      %sign3A_32 = arith.constant 0 : i32
      %sign3A_33 = arith.cmpi sgt, %jit3A, %sign3A_32 : i32
      %sign3A_34 = arith.extui %sign3A_33 : i1 to i32
      %sign3A_35 = arith.constant 0 : i32
      %sign3A_36 = arith.cmpi slt, %jit3A, %sign3A_35 : i32
      %sign3A_37 = arith.extui %sign3A_36 : i1 to i32
      %sign3A_38 = arith.subi %sign3A_34, %sign3A_37 : i32
      %ne3A = arith.cmpi ne, %sign3A_31, %sign3A_38 : i32
      %rem3A = arith.remsi %scan3A_24, %jit3A : i32
      %ne3A_39 = arith.constant 0 : i32
      %ne3A_40 = arith.cmpi ne, %rem3A, %ne3A_39 : i32
      %and3A = arith.andi %ne3A, %ne3A_40 : i1
      %sub3A = arith.constant 1 : i32
      %sub3A_41 = arith.subi %div3A, %sub3A : i32
      %select_n3A = arith.select %and3A, %sub3A_41, %div3A : i32
      %jit3A_42 = arith.constant 8 : i32
      %eq3A = arith.constant 0 : i32
      %eq3A_43 = arith.cmpi eq, %jit3A_42, %eq3A : i32
      %jit3A_44 = arith.constant 1 : i32
      %select_n3A_45 = arith.select %eq3A_43, %jit3A_44, %jit3A_42 : i32
      %rem3A_46 = arith.remsi %scan3A_24, %select_n3A_45 : i32
      %ne3A_47 = arith.constant 0 : i32
      %ne3A_48 = arith.cmpi ne, %rem3A_46, %ne3A_47 : i32
      %lt3A = arith.constant 0 : i32
      %lt3A_49 = arith.cmpi slt, %rem3A_46, %lt3A : i32
      %lt3A_50 = arith.constant 0 : i32
      %lt3A_51 = arith.cmpi slt, %select_n3A_45, %lt3A_50 : i32
      %ne3A_52 = arith.xori %lt3A_49, %lt3A_51 : i1
      %and3A_53 = arith.andi %ne3A_52, %ne3A_48 : i1
      %add3A_54 = arith.addi %rem3A_46, %select_n3A_45 : i32
      %select_n3A_55 = arith.select %and3A_53, %add3A_54, %rem3A_46 : i32
      %broadcast_in_dim3A = arith.constant 0.000000e+00 : f32
      %broadcast_in_dim3A_56 = vector.broadcast %broadcast_in_dim3A : f32 to vector<16xf32>
      %mul3A_57 = arith.constant 16 : i32
      %mul3A_58 = arith.muli %select_n3A_55, %mul3A_57 : i32
      %swap3A = arith.index_cast %select_n3A : i32 to index
      %swap3A_59 = arith.index_cast %mul3A_58 : i32 to index
      %swap3A_60 = tpu.vector_load %arg8[%swap3A, %swap3A_59] {strides = array<i32>} : memref<128x128xf32, #tpu.memory_space<vmem>>, vector<1x16xf32>,
      %swap3A_61 = vector.shape_cast %swap3A_60 : vector<1x16xf32> to vector<16xf32>
      %swap3A_62 = vector.shape_cast %broadcast_in_dim3A_56 : vector<16xf32> to vector<1x16xf32>
      tpu.vector_store %arg8[%swap3A, %swap3A_59], %swap3A_62 {strides = array<i32>} : memref<128x128xf32, #tpu.memory_space<vmem>>, vector<1x16xf32>,
      %scan3A_63 = arith.constant 0 : i32
      scf.yield %scan3A_63 : i32
    }
    %scan3A_6 = arith.constant 1024 : i32
    %scan3A_7 = arith.constant 0 : i32
    %scan3A_8 = arith.constant 0 : i32
    %scan3A_9 = arith.constant 5 : i32
    %scan3A_10 = arith.addi %scan3A_8, %scan3A_9 : i32
    %scan3A_11 = arith.constant 1 : i32
    %scan3A_12 = scf.for %scan3A_24 = %scan3A_8 to %scan3A_10 step %scan3A_11 iter_args(%scan3A_25 = %scan3A_7) -> (i32)  : i32 {
      %mul3A_26 = arith.constant 640 : i32
      %mul3A_27 = arith.muli %arg1, %mul3A_26 : i32
      %mul3A_28 = arith.constant 128 : i32
      %mul3A_29 = arith.muli %scan3A_24, %mul3A_28 : i32
      %add3A_30 = arith.addi %mul3A_27, %mul3A_29 : i32
      "tpu.region"() ({
        %run_scoped3A = tpu.sem_alloc : memref<!tpu.dma_semaphore, #tpu.memory_space<semaphore_mem>>
        %dma_start3A = arith.constant 0 : i32
        %dma_start3A_32 = tpu.memref_slice %arg9[%add3A_30, %dma_start3A] : memref<10240x128xf32, #tpu.memory_space<vmem_shared>> -> memref<128x128xf32, #tpu.memory_space<vmem_shared>>
        %dma_start3A_33 = arith.constant 0 : i32
        %dma_start3A_34 = tpu.memref_slice %arg9[%add3A_30, %dma_start3A_33] : memref<10240x128xf32, #tpu.memory_space<vmem_shared>> -> memref<128x128xf32, #tpu.memory_space<vmem_shared>>
        tpu.enqueue_dma source(%arg8 : memref<128x128xf32, #tpu.memory_space<vmem>>) target(%dma_start3A_34 : memref<128x128xf32, #tpu.memory_space<vmem_shared>>) target_semaphore(%run_scoped3A : memref<!tpu.dma_semaphore, #tpu.memory_space<semaphore_mem>>)
        %dma_wait3A = arith.constant 0 : i32
        %dma_wait3A_35 = tpu.memref_slice %arg9[%add3A_30, %dma_wait3A] : memref<10240x128xf32, #tpu.memory_space<vmem_shared>> -> memref<128x128xf32, #tpu.memory_space<vmem_shared>>
        %dma_wait3A_36 = arith.constant 0 : i32
        %dma_wait3A_37 = tpu.memref_slice %arg9[%add3A_30, %dma_wait3A_36] : memref<10240x128xf32, #tpu.memory_space<vmem_shared>> -> memref<128x128xf32, #tpu.memory_space<vmem_shared>>
        tpu.wait_dma2 semaphore(%run_scoped3A : memref<!tpu.dma_semaphore, #tpu.memory_space<semaphore_mem>>) src(%arg8 : memref<128x128xf32, #tpu.memory_space<vmem>>) dst(%dma_wait3A_37 : memref<128x128xf32, #tpu.memory_space<vmem_shared>>)
        tpu.yield
      }) : () -> ()
      %scan3A_31 = arith.constant 0 : i32
      scf.yield %scan3A_31 : i32
    }
    %scan3A_13 = arith.constant 5 : i32
    %barrier3A = arith.constant 0 : index
    tpu.barrier barrier_id(%barrier3A)
    %scan3A_14 = arith.constant 0 : i32
    %scan3A_15 = arith.constant 0 : i32
    %scan3A_16 = arith.constant 81 : i32
    %scan3A_17 = arith.addi %scan3A_15, %scan3A_16 : i32
    %scan3A_18 = arith.constant 1 : i32
    %scan3A_19 = scf.for %scan3A_24 = %scan3A_15 to %scan3A_17 step %scan3A_18 iter_args(%scan3A_25 = %scan3A_14) -> (i32)  : i32 {
      %dma_start3A = arith.constant 0 : i32
      %dma_start3A_26 = tpu.memref_slice %arg6[%scan3A_24, %dma_start3A] : memref<81x128xi32, #tpu.memory_space<vmem>> -> memref<1x128xi32, #tpu.memory_space<vmem>>
      %dma_start3A_27 = tpu.memref_squeeze %dma_start3A_26 : memref<1x128xi32, #tpu.memory_space<vmem>> -> memref<128xi32, #tpu.memory_space<vmem>>
      %dma_start3A_28 = arith.constant 0 : i32
      %dma_start3A_29 = arith.constant 0 : i32
      %dma_start3A_30 = tpu.memref_slice %arg4[%dma_start3A_28, %dma_start3A_29] : memref<10240x128xf32, #tpu.memory_space<hbm>> -> memref<10240x128xf32, #tpu.memory_space<hbm>>
      tpu.enqueue_indirect_dma source(%dma_start3A_30 : memref<10240x128xf32, #tpu.memory_space<hbm>>) target(%arg8 : memref<128x128xf32, #tpu.memory_space<vmem>>) offsets(%dma_start3A_27 : memref<128xi32, #tpu.memory_space<vmem>>) semaphore(%arg10 : memref<!tpu.dma_semaphore, #tpu.memory_space<semaphore_mem>>)
      %dma_wait3A = arith.constant 0 : i32
      %dma_wait3A_31 = tpu.memref_slice %arg6[%scan3A_24, %dma_wait3A] : memref<81x128xi32, #tpu.memory_space<vmem>> -> memref<1x128xi32, #tpu.memory_space<vmem>>
      %dma_wait3A_32 = tpu.memref_squeeze %dma_wait3A_31 : memref<1x128xi32, #tpu.memory_space<vmem>> -> memref<128xi32, #tpu.memory_space<vmem>>
      %dma_wait3A_33 = arith.constant 0 : i32
      %dma_wait3A_34 = arith.constant 0 : i32
      %dma_wait3A_35 = tpu.memref_slice %arg4[%dma_wait3A_33, %dma_wait3A_34] : memref<10240x128xf32, #tpu.memory_space<hbm>> -> memref<10240x128xf32, #tpu.memory_space<hbm>>
      tpu.wait_indirect_dma semaphore(%arg10 : memref<!tpu.dma_semaphore, #tpu.memory_space<semaphore_mem>>) src(%dma_wait3A_35 : memref<10240x128xf32, #tpu.memory_space<hbm>>) dst(%arg8 : memref<128x128xf32, #tpu.memory_space<vmem>>)
      "tpu.region"() ({
        %run_scoped3A = tpu.sem_alloc : memref<!tpu.dma_semaphore, #tpu.memory_space<semaphore_mem>>
        %dma_start3A_37 = arith.constant 0 : i32
        %dma_start3A_38 = tpu.memref_slice %arg7[%scan3A_24, %dma_start3A_37] : memref<81x128xi32, #tpu.memory_space<vmem>> -> memref<1x128xi32, #tpu.memory_space<vmem>>
        %dma_start3A_39 = tpu.memref_squeeze %dma_start3A_38 : memref<1x128xi32, #tpu.memory_space<vmem>> -> memref<128xi32, #tpu.memory_space<vmem>>
        %dma_start3A_40 = arith.constant 0 : i32
        %dma_start3A_41 = arith.constant 0 : i32
        %dma_start3A_42 = tpu.memref_slice %arg9[%dma_start3A_40, %dma_start3A_41] : memref<10240x128xf32, #tpu.memory_space<vmem_shared>> -> memref<10240x128xf32, #tpu.memory_space<vmem_shared>>
        tpu.enqueue_indirect_dma source(%arg8 : memref<128x128xf32, #tpu.memory_space<vmem>>) target(%dma_start3A_42 : memref<10240x128xf32, #tpu.memory_space<vmem_shared>>) offsets(%dma_start3A_39 : memref<128xi32, #tpu.memory_space<vmem>>) semaphore(%run_scoped3A : memref<!tpu.dma_semaphore, #tpu.memory_space<semaphore_mem>>) {add = true}
        %dma_wait3A_43 = arith.constant 0 : i32
        %dma_wait3A_44 = tpu.memref_slice %arg7[%scan3A_24, %dma_wait3A_43] : memref<81x128xi32, #tpu.memory_space<vmem>> -> memref<1x128xi32, #tpu.memory_space<vmem>>
        %dma_wait3A_45 = tpu.memref_squeeze %dma_wait3A_44 : memref<1x128xi32, #tpu.memory_space<vmem>> -> memref<128xi32, #tpu.memory_space<vmem>>
        %dma_wait3A_46 = arith.constant 0 : i32
        %dma_wait3A_47 = arith.constant 0 : i32
        %dma_wait3A_48 = tpu.memref_slice %arg9[%dma_wait3A_46, %dma_wait3A_47] : memref<10240x128xf32, #tpu.memory_space<vmem_shared>> -> memref<10240x128xf32, #tpu.memory_space<vmem_shared>>
        tpu.wait_indirect_dma semaphore(%run_scoped3A : memref<!tpu.dma_semaphore, #tpu.memory_space<semaphore_mem>>) src(%arg8 : memref<128x128xf32, #tpu.memory_space<vmem>>) dst(%dma_wait3A_48 : memref<10240x128xf32, #tpu.memory_space<vmem_shared>>)
        tpu.yield
      }) : () -> ()
      %scan3A_36 = arith.constant 0 : i32
      scf.yield %scan3A_36 : i32
    }
    %scan3A_20 = arith.constant 81 : i32
    %barrier3A_21 = arith.constant 0 : index
    tpu.barrier barrier_id(%barrier3A_21)
    %mul3A_22 = arith.constant 640 : i32
    %mul3A_23 = arith.muli %arg1, %mul3A_22 : i32
    "tpu.region"() ({
      %run_scoped3A = tpu.sem_alloc : memref<!tpu.dma_semaphore, #tpu.memory_space<semaphore_mem>>
      %dma_start3A = arith.constant 0 : i32
      %dma_start3A_24 = tpu.memref_slice %arg5[%arg0, %mul3A_23, %dma_start3A] : memref<2x10240x128xf32, #tpu.memory_space<hbm>> -> memref<1x640x128xf32, #tpu.memory_space<hbm>>
      %dma_start3A_25 = tpu.memref_squeeze %dma_start3A_24 : memref<1x640x128xf32, #tpu.memory_space<hbm>> -> memref<640x128xf32, #tpu.memory_space<hbm>>
      %dma_start3A_26 = arith.constant 0 : i32
      %dma_start3A_27 = tpu.memref_slice %arg9[%mul3A_23, %dma_start3A_26] : memref<10240x128xf32, #tpu.memory_space<vmem_shared>> -> memref<640x128xf32, #tpu.memory_space<vmem_shared>>
      tpu.enqueue_dma source(%dma_start3A_27 : memref<640x128xf32, #tpu.memory_space<vmem_shared>>) target(%dma_start3A_25 : memref<640x128xf32, #tpu.memory_space<hbm>>) target_semaphore(%run_scoped3A : memref<!tpu.dma_semaphore, #tpu.memory_space<semaphore_mem>>)
      %dma_wait3A = arith.constant 0 : i32
      %dma_wait3A_28 = tpu.memref_slice %arg5[%arg0, %mul3A_23, %dma_wait3A] : memref<2x10240x128xf32, #tpu.memory_space<hbm>> -> memref<1x640x128xf32, #tpu.memory_space<hbm>>
      %dma_wait3A_29 = tpu.memref_squeeze %dma_wait3A_28 : memref<1x640x128xf32, #tpu.memory_space<hbm>> -> memref<640x128xf32, #tpu.memory_space<hbm>>
      %dma_wait3A_30 = arith.constant 0 : i32
      %dma_wait3A_31 = tpu.memref_slice %arg9[%mul3A_23, %dma_wait3A_30] : memref<10240x128xf32, #tpu.memory_space<vmem_shared>> -> memref<640x128xf32, #tpu.memory_space<vmem_shared>>
      tpu.wait_dma2 semaphore(%run_scoped3A : memref<!tpu.dma_semaphore, #tpu.memory_space<semaphore_mem>>) src(%dma_wait3A_31 : memref<640x128xf32, #tpu.memory_space<vmem_shared>>) dst(%dma_wait3A_29 : memref<640x128xf32, #tpu.memory_space<hbm>>)
      tpu.yield
    }) : () -> ()
    return
  }
}

#map = affine_map<(d0, d1) -> (0, 0, 0)>
#map1 = affine_map<(d0, d1) -> (0, 0)>
module attributes {stable_mosaic.version = 14 : i64} {
  func.func @pass_kernel(%arg0: i32, %arg1: i32, %arg2: memref<32x81x128xi32, #tpu.memory_space<hbm>>, %arg3: memref<32x81x128xi32, #tpu.memory_space<hbm>>, %arg4: memref<10240x64xf32, #tpu.memory_space<hbm>>, %arg5: memref<2x10240x64xf32, #tpu.memory_space<hbm>>, %arg6: memref<81x128xi32, #tpu.memory_space<vmem>>, %arg7: memref<81x128xi32, #tpu.memory_space<vmem>>, %arg8: memref<128x64xf32, #tpu.memory_space<vmem>>, %arg9: memref<10240x64xf32, #tpu.memory_space<vmem_shared>>, %arg10: memref<!tpu.dma_semaphore, #tpu.memory_space<semaphore_mem>>) attributes {dimension_semantics = [#tpu.dimension_semantics<core_parallel>, #tpu.dimension_semantics<subcore_parallel>], iteration_bounds = array<i64: 2, 16>, scalar_prefetch = 0 : i64, scratch_operands = 5 : i64, tpu.core_type = #tpu.core_type<sc_vector_subcore>, window_params = [{transform_indices = #map}, {transform_indices = #map}, {transform_indices = #map1}, {transform_indices = #map}]} {
    %mul3A = arith.constant 2 : i32
    %mul3A_0 = arith.muli %arg1, %mul3A : i32
    %add3A = arith.addi %mul3A_0, %arg0 : i32
    "tpu.region"() ({
      %run_scoped3A = tpu.sem_alloc : memref<!tpu.dma_semaphore, #tpu.memory_space<semaphore_mem>>
      %dma_start3A = arith.constant 0 : i32
      %dma_start3A_24 = arith.constant 0 : i32
      %dma_start3A_25 = tpu.memref_slice %arg2[%add3A, %dma_start3A, %dma_start3A_24] : memref<32x81x128xi32, #tpu.memory_space<hbm>> -> memref<1x81x128xi32, #tpu.memory_space<hbm>>
      %dma_start3A_26 = tpu.memref_squeeze %dma_start3A_25 : memref<1x81x128xi32, #tpu.memory_space<hbm>> -> memref<81x128xi32, #tpu.memory_space<hbm>>
      %dma_start3A_27 = arith.constant 0 : i32
      %dma_start3A_28 = arith.constant 0 : i32
      %dma_start3A_29 = tpu.memref_slice %arg2[%add3A, %dma_start3A_27, %dma_start3A_28] : memref<32x81x128xi32, #tpu.memory_space<hbm>> -> memref<1x81x128xi32, #tpu.memory_space<hbm>>
      %dma_start3A_30 = tpu.memref_squeeze %dma_start3A_29 : memref<1x81x128xi32, #tpu.memory_space<hbm>> -> memref<81x128xi32, #tpu.memory_space<hbm>>
      tpu.enqueue_dma source(%dma_start3A_30 : memref<81x128xi32, #tpu.memory_space<hbm>>) target(%arg6 : memref<81x128xi32, #tpu.memory_space<vmem>>) target_semaphore(%run_scoped3A : memref<!tpu.dma_semaphore, #tpu.memory_space<semaphore_mem>>)
      %dma_wait3A = arith.constant 0 : i32
      %dma_wait3A_31 = arith.constant 0 : i32
      %dma_wait3A_32 = tpu.memref_slice %arg2[%add3A, %dma_wait3A, %dma_wait3A_31] : memref<32x81x128xi32, #tpu.memory_space<hbm>> -> memref<1x81x128xi32, #tpu.memory_space<hbm>>
      %dma_wait3A_33 = tpu.memref_squeeze %dma_wait3A_32 : memref<1x81x128xi32, #tpu.memory_space<hbm>> -> memref<81x128xi32, #tpu.memory_space<hbm>>
      %dma_wait3A_34 = arith.constant 0 : i32
      %dma_wait3A_35 = arith.constant 0 : i32
      %dma_wait3A_36 = tpu.memref_slice %arg2[%add3A, %dma_wait3A_34, %dma_wait3A_35] : memref<32x81x128xi32, #tpu.memory_space<hbm>> -> memref<1x81x128xi32, #tpu.memory_space<hbm>>
      %dma_wait3A_37 = tpu.memref_squeeze %dma_wait3A_36 : memref<1x81x128xi32, #tpu.memory_space<hbm>> -> memref<81x128xi32, #tpu.memory_space<hbm>>
      tpu.wait_dma2 semaphore(%run_scoped3A : memref<!tpu.dma_semaphore, #tpu.memory_space<semaphore_mem>>) src(%dma_wait3A_37 : memref<81x128xi32, #tpu.memory_space<hbm>>) dst(%arg6 : memref<81x128xi32, #tpu.memory_space<vmem>>)
      tpu.yield
    }) : () -> ()
    "tpu.region"() ({
      %run_scoped3A = tpu.sem_alloc : memref<!tpu.dma_semaphore, #tpu.memory_space<semaphore_mem>>
      %dma_start3A = arith.constant 0 : i32
      %dma_start3A_24 = arith.constant 0 : i32
      %dma_start3A_25 = tpu.memref_slice %arg3[%add3A, %dma_start3A, %dma_start3A_24] : memref<32x81x128xi32, #tpu.memory_space<hbm>> -> memref<1x81x128xi32, #tpu.memory_space<hbm>>
      %dma_start3A_26 = tpu.memref_squeeze %dma_start3A_25 : memref<1x81x128xi32, #tpu.memory_space<hbm>> -> memref<81x128xi32, #tpu.memory_space<hbm>>
      %dma_start3A_27 = arith.constant 0 : i32
      %dma_start3A_28 = arith.constant 0 : i32
      %dma_start3A_29 = tpu.memref_slice %arg3[%add3A, %dma_start3A_27, %dma_start3A_28] : memref<32x81x128xi32, #tpu.memory_space<hbm>> -> memref<1x81x128xi32, #tpu.memory_space<hbm>>
      %dma_start3A_30 = tpu.memref_squeeze %dma_start3A_29 : memref<1x81x128xi32, #tpu.memory_space<hbm>> -> memref<81x128xi32, #tpu.memory_space<hbm>>
      tpu.enqueue_dma source(%dma_start3A_30 : memref<81x128xi32, #tpu.memory_space<hbm>>) target(%arg7 : memref<81x128xi32, #tpu.memory_space<vmem>>) target_semaphore(%run_scoped3A : memref<!tpu.dma_semaphore, #tpu.memory_space<semaphore_mem>>)
      %dma_wait3A = arith.constant 0 : i32
      %dma_wait3A_31 = arith.constant 0 : i32
      %dma_wait3A_32 = tpu.memref_slice %arg3[%add3A, %dma_wait3A, %dma_wait3A_31] : memref<32x81x128xi32, #tpu.memory_space<hbm>> -> memref<1x81x128xi32, #tpu.memory_space<hbm>>
      %dma_wait3A_33 = tpu.memref_squeeze %dma_wait3A_32 : memref<1x81x128xi32, #tpu.memory_space<hbm>> -> memref<81x128xi32, #tpu.memory_space<hbm>>
      %dma_wait3A_34 = arith.constant 0 : i32
      %dma_wait3A_35 = arith.constant 0 : i32
      %dma_wait3A_36 = tpu.memref_slice %arg3[%add3A, %dma_wait3A_34, %dma_wait3A_35] : memref<32x81x128xi32, #tpu.memory_space<hbm>> -> memref<1x81x128xi32, #tpu.memory_space<hbm>>
      %dma_wait3A_37 = tpu.memref_squeeze %dma_wait3A_36 : memref<1x81x128xi32, #tpu.memory_space<hbm>> -> memref<81x128xi32, #tpu.memory_space<hbm>>
      tpu.wait_dma2 semaphore(%run_scoped3A : memref<!tpu.dma_semaphore, #tpu.memory_space<semaphore_mem>>) src(%dma_wait3A_37 : memref<81x128xi32, #tpu.memory_space<hbm>>) dst(%arg7 : memref<81x128xi32, #tpu.memory_space<vmem>>)
      tpu.yield
    }) : () -> ()
    %scan3A = arith.constant 0 : i32
    %scan3A_1 = arith.constant 0 : i32
    %scan3A_2 = arith.constant 512 : i32
    %scan3A_3 = arith.addi %scan3A_1, %scan3A_2 : i32
    %scan3A_4 = arith.constant 1 : i32
    %scan3A_5 = scf.for %scan3A_24 = %scan3A_1 to %scan3A_3 step %scan3A_4 iter_args(%scan3A_25 = %scan3A) -> (i32)  : i32 {
      %jit3A = arith.constant 4 : i32
      %div3A = arith.divsi %scan3A_24, %jit3A : i32
      %sign3A = arith.constant 0 : i32
      %sign3A_26 = arith.cmpi sgt, %scan3A_24, %sign3A : i32
      %sign3A_27 = arith.extui %sign3A_26 : i1 to i32
      %sign3A_28 = arith.constant 0 : i32
      %sign3A_29 = arith.cmpi slt, %scan3A_24, %sign3A_28 : i32
      %sign3A_30 = arith.extui %sign3A_29 : i1 to i32
      %sign3A_31 = arith.subi %sign3A_27, %sign3A_30 : i32
      %sign3A_32 = arith.constant 0 : i32
      %sign3A_33 = arith.cmpi sgt, %jit3A, %sign3A_32 : i32
      %sign3A_34 = arith.extui %sign3A_33 : i1 to i32
      %sign3A_35 = arith.constant 0 : i32
      %sign3A_36 = arith.cmpi slt, %jit3A, %sign3A_35 : i32
      %sign3A_37 = arith.extui %sign3A_36 : i1 to i32
      %sign3A_38 = arith.subi %sign3A_34, %sign3A_37 : i32
      %ne3A = arith.cmpi ne, %sign3A_31, %sign3A_38 : i32
      %rem3A = arith.remsi %scan3A_24, %jit3A : i32
      %ne3A_39 = arith.constant 0 : i32
      %ne3A_40 = arith.cmpi ne, %rem3A, %ne3A_39 : i32
      %and3A = arith.andi %ne3A, %ne3A_40 : i1
      %sub3A = arith.constant 1 : i32
      %sub3A_41 = arith.subi %div3A, %sub3A : i32
      %select_n3A = arith.select %and3A, %sub3A_41, %div3A : i32
      %jit3A_42 = arith.constant 4 : i32
      %eq3A = arith.constant 0 : i32
      %eq3A_43 = arith.cmpi eq, %jit3A_42, %eq3A : i32
      %jit3A_44 = arith.constant 1 : i32
      %select_n3A_45 = arith.select %eq3A_43, %jit3A_44, %jit3A_42 : i32
      %rem3A_46 = arith.remsi %scan3A_24, %select_n3A_45 : i32
      %ne3A_47 = arith.constant 0 : i32
      %ne3A_48 = arith.cmpi ne, %rem3A_46, %ne3A_47 : i32
      %lt3A = arith.constant 0 : i32
      %lt3A_49 = arith.cmpi slt, %rem3A_46, %lt3A : i32
      %lt3A_50 = arith.constant 0 : i32
      %lt3A_51 = arith.cmpi slt, %select_n3A_45, %lt3A_50 : i32
      %ne3A_52 = arith.xori %lt3A_49, %lt3A_51 : i1
      %and3A_53 = arith.andi %ne3A_52, %ne3A_48 : i1
      %add3A_54 = arith.addi %rem3A_46, %select_n3A_45 : i32
      %select_n3A_55 = arith.select %and3A_53, %add3A_54, %rem3A_46 : i32
      %broadcast_in_dim3A = arith.constant 0.000000e+00 : f32
      %broadcast_in_dim3A_56 = vector.broadcast %broadcast_in_dim3A : f32 to vector<16xf32>
      %mul3A_57 = arith.constant 16 : i32
      %mul3A_58 = arith.muli %select_n3A_55, %mul3A_57 : i32
      %swap3A = arith.index_cast %select_n3A : i32 to index
      %swap3A_59 = arith.index_cast %mul3A_58 : i32 to index
      %swap3A_60 = tpu.vector_load %arg8[%swap3A, %swap3A_59] {strides = array<i32>} : memref<128x64xf32, #tpu.memory_space<vmem>>, vector<1x16xf32>,
      %swap3A_61 = vector.shape_cast %swap3A_60 : vector<1x16xf32> to vector<16xf32>
      %swap3A_62 = vector.shape_cast %broadcast_in_dim3A_56 : vector<16xf32> to vector<1x16xf32>
      tpu.vector_store %arg8[%swap3A, %swap3A_59], %swap3A_62 {strides = array<i32>} : memref<128x64xf32, #tpu.memory_space<vmem>>, vector<1x16xf32>,
      %scan3A_63 = arith.constant 0 : i32
      scf.yield %scan3A_63 : i32
    }
    %scan3A_6 = arith.constant 512 : i32
    %scan3A_7 = arith.constant 0 : i32
    %scan3A_8 = arith.constant 0 : i32
    %scan3A_9 = arith.constant 5 : i32
    %scan3A_10 = arith.addi %scan3A_8, %scan3A_9 : i32
    %scan3A_11 = arith.constant 1 : i32
    %scan3A_12 = scf.for %scan3A_24 = %scan3A_8 to %scan3A_10 step %scan3A_11 iter_args(%scan3A_25 = %scan3A_7) -> (i32)  : i32 {
      %mul3A_26 = arith.constant 640 : i32
      %mul3A_27 = arith.muli %arg1, %mul3A_26 : i32
      %mul3A_28 = arith.constant 128 : i32
      %mul3A_29 = arith.muli %scan3A_24, %mul3A_28 : i32
      %add3A_30 = arith.addi %mul3A_27, %mul3A_29 : i32
      "tpu.region"() ({
        %run_scoped3A = tpu.sem_alloc : memref<!tpu.dma_semaphore, #tpu.memory_space<semaphore_mem>>
        %dma_start3A = arith.constant 0 : i32
        %dma_start3A_32 = tpu.memref_slice %arg9[%add3A_30, %dma_start3A] : memref<10240x64xf32, #tpu.memory_space<vmem_shared>> -> memref<128x64xf32, #tpu.memory_space<vmem_shared>>
        %dma_start3A_33 = arith.constant 0 : i32
        %dma_start3A_34 = tpu.memref_slice %arg9[%add3A_30, %dma_start3A_33] : memref<10240x64xf32, #tpu.memory_space<vmem_shared>> -> memref<128x64xf32, #tpu.memory_space<vmem_shared>>
        tpu.enqueue_dma source(%arg8 : memref<128x64xf32, #tpu.memory_space<vmem>>) target(%dma_start3A_34 : memref<128x64xf32, #tpu.memory_space<vmem_shared>>) target_semaphore(%run_scoped3A : memref<!tpu.dma_semaphore, #tpu.memory_space<semaphore_mem>>)
        %dma_wait3A = arith.constant 0 : i32
        %dma_wait3A_35 = tpu.memref_slice %arg9[%add3A_30, %dma_wait3A] : memref<10240x64xf32, #tpu.memory_space<vmem_shared>> -> memref<128x64xf32, #tpu.memory_space<vmem_shared>>
        %dma_wait3A_36 = arith.constant 0 : i32
        %dma_wait3A_37 = tpu.memref_slice %arg9[%add3A_30, %dma_wait3A_36] : memref<10240x64xf32, #tpu.memory_space<vmem_shared>> -> memref<128x64xf32, #tpu.memory_space<vmem_shared>>
        tpu.wait_dma2 semaphore(%run_scoped3A : memref<!tpu.dma_semaphore, #tpu.memory_space<semaphore_mem>>) src(%arg8 : memref<128x64xf32, #tpu.memory_space<vmem>>) dst(%dma_wait3A_37 : memref<128x64xf32, #tpu.memory_space<vmem_shared>>)
        tpu.yield
      }) : () -> ()
      %scan3A_31 = arith.constant 0 : i32
      scf.yield %scan3A_31 : i32
    }
    %scan3A_13 = arith.constant 5 : i32
    %barrier3A = arith.constant 0 : index
    tpu.barrier barrier_id(%barrier3A)
    %scan3A_14 = arith.constant 0 : i32
    %scan3A_15 = arith.constant 0 : i32
    %scan3A_16 = arith.constant 81 : i32
    %scan3A_17 = arith.addi %scan3A_15, %scan3A_16 : i32
    %scan3A_18 = arith.constant 1 : i32
    %scan3A_19 = scf.for %scan3A_24 = %scan3A_15 to %scan3A_17 step %scan3A_18 iter_args(%scan3A_25 = %scan3A_14) -> (i32)  : i32 {
      %dma_start3A = arith.constant 0 : i32
      %dma_start3A_26 = tpu.memref_slice %arg6[%scan3A_24, %dma_start3A] : memref<81x128xi32, #tpu.memory_space<vmem>> -> memref<1x128xi32, #tpu.memory_space<vmem>>
      %dma_start3A_27 = tpu.memref_squeeze %dma_start3A_26 : memref<1x128xi32, #tpu.memory_space<vmem>> -> memref<128xi32, #tpu.memory_space<vmem>>
      %dma_start3A_28 = arith.constant 0 : i32
      %dma_start3A_29 = arith.constant 0 : i32
      %dma_start3A_30 = tpu.memref_slice %arg4[%dma_start3A_28, %dma_start3A_29] : memref<10240x64xf32, #tpu.memory_space<hbm>> -> memref<10240x64xf32, #tpu.memory_space<hbm>>
      tpu.enqueue_indirect_dma source(%dma_start3A_30 : memref<10240x64xf32, #tpu.memory_space<hbm>>) target(%arg8 : memref<128x64xf32, #tpu.memory_space<vmem>>) offsets(%dma_start3A_27 : memref<128xi32, #tpu.memory_space<vmem>>) semaphore(%arg10 : memref<!tpu.dma_semaphore, #tpu.memory_space<semaphore_mem>>)
      %dma_wait3A = arith.constant 0 : i32
      %dma_wait3A_31 = tpu.memref_slice %arg6[%scan3A_24, %dma_wait3A] : memref<81x128xi32, #tpu.memory_space<vmem>> -> memref<1x128xi32, #tpu.memory_space<vmem>>
      %dma_wait3A_32 = tpu.memref_squeeze %dma_wait3A_31 : memref<1x128xi32, #tpu.memory_space<vmem>> -> memref<128xi32, #tpu.memory_space<vmem>>
      %dma_wait3A_33 = arith.constant 0 : i32
      %dma_wait3A_34 = arith.constant 0 : i32
      %dma_wait3A_35 = tpu.memref_slice %arg4[%dma_wait3A_33, %dma_wait3A_34] : memref<10240x64xf32, #tpu.memory_space<hbm>> -> memref<10240x64xf32, #tpu.memory_space<hbm>>
      tpu.wait_indirect_dma semaphore(%arg10 : memref<!tpu.dma_semaphore, #tpu.memory_space<semaphore_mem>>) src(%dma_wait3A_35 : memref<10240x64xf32, #tpu.memory_space<hbm>>) dst(%arg8 : memref<128x64xf32, #tpu.memory_space<vmem>>)
      "tpu.region"() ({
        %run_scoped3A = tpu.sem_alloc : memref<!tpu.dma_semaphore, #tpu.memory_space<semaphore_mem>>
        %dma_start3A_37 = arith.constant 0 : i32
        %dma_start3A_38 = tpu.memref_slice %arg7[%scan3A_24, %dma_start3A_37] : memref<81x128xi32, #tpu.memory_space<vmem>> -> memref<1x128xi32, #tpu.memory_space<vmem>>
        %dma_start3A_39 = tpu.memref_squeeze %dma_start3A_38 : memref<1x128xi32, #tpu.memory_space<vmem>> -> memref<128xi32, #tpu.memory_space<vmem>>
        %dma_start3A_40 = arith.constant 0 : i32
        %dma_start3A_41 = arith.constant 0 : i32
        %dma_start3A_42 = tpu.memref_slice %arg9[%dma_start3A_40, %dma_start3A_41] : memref<10240x64xf32, #tpu.memory_space<vmem_shared>> -> memref<10240x64xf32, #tpu.memory_space<vmem_shared>>
        tpu.enqueue_indirect_dma source(%arg8 : memref<128x64xf32, #tpu.memory_space<vmem>>) target(%dma_start3A_42 : memref<10240x64xf32, #tpu.memory_space<vmem_shared>>) offsets(%dma_start3A_39 : memref<128xi32, #tpu.memory_space<vmem>>) semaphore(%run_scoped3A : memref<!tpu.dma_semaphore, #tpu.memory_space<semaphore_mem>>) {add = true}
        %dma_wait3A_43 = arith.constant 0 : i32
        %dma_wait3A_44 = tpu.memref_slice %arg7[%scan3A_24, %dma_wait3A_43] : memref<81x128xi32, #tpu.memory_space<vmem>> -> memref<1x128xi32, #tpu.memory_space<vmem>>
        %dma_wait3A_45 = tpu.memref_squeeze %dma_wait3A_44 : memref<1x128xi32, #tpu.memory_space<vmem>> -> memref<128xi32, #tpu.memory_space<vmem>>
        %dma_wait3A_46 = arith.constant 0 : i32
        %dma_wait3A_47 = arith.constant 0 : i32
        %dma_wait3A_48 = tpu.memref_slice %arg9[%dma_wait3A_46, %dma_wait3A_47] : memref<10240x64xf32, #tpu.memory_space<vmem_shared>> -> memref<10240x64xf32, #tpu.memory_space<vmem_shared>>
        tpu.wait_indirect_dma semaphore(%run_scoped3A : memref<!tpu.dma_semaphore, #tpu.memory_space<semaphore_mem>>) src(%arg8 : memref<128x64xf32, #tpu.memory_space<vmem>>) dst(%dma_wait3A_48 : memref<10240x64xf32, #tpu.memory_space<vmem_shared>>)
        tpu.yield
      }) : () -> ()
      %scan3A_36 = arith.constant 0 : i32
      scf.yield %scan3A_36 : i32
    }
    %scan3A_20 = arith.constant 81 : i32
    %barrier3A_21 = arith.constant 0 : index
    tpu.barrier barrier_id(%barrier3A_21)
    %mul3A_22 = arith.constant 640 : i32
    %mul3A_23 = arith.muli %arg1, %mul3A_22 : i32
    "tpu.region"() ({
      %run_scoped3A = tpu.sem_alloc : memref<!tpu.dma_semaphore, #tpu.memory_space<semaphore_mem>>
      %dma_start3A = arith.constant 0 : i32
      %dma_start3A_24 = tpu.memref_slice %arg5[%arg0, %mul3A_23, %dma_start3A] : memref<2x10240x64xf32, #tpu.memory_space<hbm>> -> memref<1x640x64xf32, #tpu.memory_space<hbm>>
      %dma_start3A_25 = tpu.memref_squeeze %dma_start3A_24 : memref<1x640x64xf32, #tpu.memory_space<hbm>> -> memref<640x64xf32, #tpu.memory_space<hbm>>
      %dma_start3A_26 = arith.constant 0 : i32
      %dma_start3A_27 = tpu.memref_slice %arg9[%mul3A_23, %dma_start3A_26] : memref<10240x64xf32, #tpu.memory_space<vmem_shared>> -> memref<640x64xf32, #tpu.memory_space<vmem_shared>>
      tpu.enqueue_dma source(%dma_start3A_27 : memref<640x64xf32, #tpu.memory_space<vmem_shared>>) target(%dma_start3A_25 : memref<640x64xf32, #tpu.memory_space<hbm>>) target_semaphore(%run_scoped3A : memref<!tpu.dma_semaphore, #tpu.memory_space<semaphore_mem>>)
      %dma_wait3A = arith.constant 0 : i32
      %dma_wait3A_28 = tpu.memref_slice %arg5[%arg0, %mul3A_23, %dma_wait3A] : memref<2x10240x64xf32, #tpu.memory_space<hbm>> -> memref<1x640x64xf32, #tpu.memory_space<hbm>>
      %dma_wait3A_29 = tpu.memref_squeeze %dma_wait3A_28 : memref<1x640x64xf32, #tpu.memory_space<hbm>> -> memref<640x64xf32, #tpu.memory_space<hbm>>
      %dma_wait3A_30 = arith.constant 0 : i32
      %dma_wait3A_31 = tpu.memref_slice %arg9[%mul3A_23, %dma_wait3A_30] : memref<10240x64xf32, #tpu.memory_space<vmem_shared>> -> memref<640x64xf32, #tpu.memory_space<vmem_shared>>
      tpu.wait_dma2 semaphore(%run_scoped3A : memref<!tpu.dma_semaphore, #tpu.memory_space<semaphore_mem>>) src(%dma_wait3A_31 : memref<640x64xf32, #tpu.memory_space<vmem_shared>>) dst(%dma_wait3A_29 : memref<640x64xf32, #tpu.memory_space<hbm>>)
      tpu.yield
    }) : () -> ()
    return
  }
}

module attributes {stable_mosaic.version = 14 : i64} {
  func.func @_scale_mm_body(%arg0: i32, %arg1: memref<2x1024x16xf32, #tpu.memory_space<vmem>>, %arg2: memref<1024x128xf32, #tpu.memory_space<vmem>>, %arg3: memref<128x128xf32, #tpu.memory_space<vmem>>, %arg4: memref<1024x128xf32, #tpu.memory_space<vmem>>) attributes {dimension_semantics = [#tpu.dimension_semantics<arbitrary>], iteration_bounds = array<i64: 10>, scalar_prefetch = 0 : i64, scratch_operands = 0 : i64, tpu.core_type = #tpu.core_type<tc>, window_params = [{transform_indices = @transform_0, window_bounds = array<i64: 2, 1024, 16>}, {transform_indices = @transform_1, window_bounds = array<i64: 1024, 128>}, {pipeline_mode = #tpu.pipeline_mode<synchronous>, transform_indices = @transform_2, window_bounds = array<i64: 128, 128>}, {transform_indices = @transform_3, window_bounds = array<i64: 1024, 128>}]} {
    %get3A = arith.constant 0 : index
    %get3A_0 = arith.constant 0 : index
    %get3A_1 = arith.constant 0 : index
    %get3A_2 = vector.load %arg1[%get3A, %get3A_0, %get3A_1] : memref<2x1024x16xf32, #tpu.memory_space<vmem>>, vector<2x1024x16xf32>
    %slice3A = vector.extract_strided_slice %get3A_2 {offsets = [0, 0, 0], sizes = [1, 1024, 16], strides = [1, 1, 1]} : vector<2x1024x16xf32> to vector<1x1024x16xf32>
    %squeeze3A = vector.shape_cast %slice3A : vector<1x1024x16xf32> to vector<1024x16xf32>
    %slice3A_3 = vector.extract_strided_slice %get3A_2 {offsets = [1, 0, 0], sizes = [1, 1024, 16], strides = [1, 1, 1]} : vector<2x1024x16xf32> to vector<1x1024x16xf32>
    %squeeze3A_4 = vector.shape_cast %slice3A_3 : vector<1x1024x16xf32> to vector<1024x16xf32>
    %add3A = arith.addf %squeeze3A, %squeeze3A_4 : vector<1024x16xf32>
    %slice3A_5 = vector.extract_strided_slice %add3A {offsets = [0, 0], sizes = [1024, 1], strides = [1, 1]} : vector<1024x16xf32> to vector<1024x1xf32>
    %gt3A = arith.constant 0.000000e+00 : f32
    %gt3A_6 = vector.broadcast %gt3A : f32 to vector<1024x1xf32>
    %gt3A_7 = arith.cmpf ogt, %slice3A_5, %gt3A_6 : vector<1024x1xf32>
    %rsqrt3A = math.rsqrt %slice3A_5 : vector<1024x1xf32>
    %jit3A = arith.constant 0.000000e+00 : f32
    %broadcast_in_dim3A = vector.broadcast %jit3A : f32 to vector<1024x1xf32>
    %select_n3A = arith.select %gt3A_7, %rsqrt3A, %broadcast_in_dim3A : vector<1024x1xi1>, vector<1024x1xf32>
    %get3A_8 = arith.constant 0 : index
    %get3A_9 = arith.constant 0 : index
    %get3A_10 = vector.load %arg2[%get3A_8, %get3A_9] : memref<1024x128xf32, #tpu.memory_space<vmem>>, vector<1024x128xf32>
    %get3A_11 = arith.constant 0 : index
    %get3A_12 = arith.constant 0 : index
    %get3A_13 = vector.load %arg3[%get3A_11, %get3A_12] : memref<128x128xf32, #tpu.memory_space<vmem>>, vector<128x128xf32>
    %dot_general3A = arith.constant dense<0.000000e+00> : vector<1024x128xf32>
    %dot_general3A_14 = tpu.matmul %get3A_10, %get3A_13, %dot_general3A {dimension_numbers = #tpu.dot_dimension_numbers<[1], [0], [0], [1], [0, 0, 1, 1], [], []>, transpose_lhs_hint = false} : vector<1024x128xf32>, vector<128x128xf32>, vector<1024x128xf32> -> vector<1024x128xf32>
    %mul3A = vector.broadcast %select_n3A : vector<1024x1xf32> to vector<1024x128xf32>
    %mul3A_15 = arith.mulf %dot_general3A_14, %mul3A : vector<1024x128xf32>
    %swap3A = arith.constant 0 : index
    %swap3A_16 = arith.constant 0 : index
    %swap3A_17 = vector.load %arg4[%swap3A, %swap3A_16] : memref<1024x128xf32, #tpu.memory_space<vmem>>, vector<1024x128xf32>
    tpu.vector_store %arg4[%swap3A, %swap3A_16], %mul3A_15 {strides = array<i32>} : memref<1024x128xf32, #tpu.memory_space<vmem>>, vector<1024x128xf32>,
    return
  }
  func.func @transform_0(%arg0: i32) -> (i32, i32, i32) {
    %c0_i32 = arith.constant 0 : i32
    %c0_i32_0 = arith.constant 0 : i32
    %c0_i32_1 = arith.constant 0 : i32
    return %c0_i32, %arg0, %c0_i32_0 : i32, i32, i32
  }
  func.func @transform_1(%arg0: i32) -> (i32, i32) {
    %c0_i32 = arith.constant 0 : i32
    %c0_i32_0 = arith.constant 0 : i32
    return %arg0, %c0_i32 : i32, i32
  }
  func.func @transform_2(%arg0: i32) -> (i32, i32) {
    %c0_i32 = arith.constant 0 : i32
    %c0_i32_0 = arith.constant 0 : i32
    %c0_i32_1 = arith.constant 0 : i32
    return %c0_i32, %c0_i32_0 : i32, i32
  }
  func.func @transform_3(%arg0: i32) -> (i32, i32) {
    %c0_i32 = arith.constant 0 : i32
    %c0_i32_0 = arith.constant 0 : i32
    return %arg0, %c0_i32 : i32, i32
  }
}

module attributes {stable_mosaic.version = 14 : i64} {
  func.func @_combine_relu_mm_body(%arg0: i32, %arg1: memref<2x1024x16xf32, #tpu.memory_space<vmem>>, %arg2: memref<2x1024x128xf32, #tpu.memory_space<vmem>>, %arg3: memref<1x128xf32, #tpu.memory_space<vmem>>, %arg4: memref<128x64xf32, #tpu.memory_space<vmem>>, %arg5: memref<1024x64xf32, #tpu.memory_space<vmem>>) attributes {dimension_semantics = [#tpu.dimension_semantics<arbitrary>], iteration_bounds = array<i64: 10>, scalar_prefetch = 0 : i64, scratch_operands = 0 : i64, tpu.core_type = #tpu.core_type<tc>, window_params = [{transform_indices = @transform_0, window_bounds = array<i64: 2, 1024, 16>}, {transform_indices = @transform_1, window_bounds = array<i64: 2, 1024, 128>}, {pipeline_mode = #tpu.pipeline_mode<synchronous>, transform_indices = @transform_2, window_bounds = array<i64: 1, 128>}, {pipeline_mode = #tpu.pipeline_mode<synchronous>, transform_indices = @transform_3, window_bounds = array<i64: 128, 64>}, {transform_indices = @transform_4, window_bounds = array<i64: 1024, 64>}]} {
    %get3A = arith.constant 0 : index
    %get3A_0 = arith.constant 0 : index
    %get3A_1 = arith.constant 0 : index
    %get3A_2 = vector.load %arg1[%get3A, %get3A_0, %get3A_1] : memref<2x1024x16xf32, #tpu.memory_space<vmem>>, vector<2x1024x16xf32>
    %slice3A = vector.extract_strided_slice %get3A_2 {offsets = [0, 0, 0], sizes = [1, 1024, 16], strides = [1, 1, 1]} : vector<2x1024x16xf32> to vector<1x1024x16xf32>
    %squeeze3A = vector.shape_cast %slice3A : vector<1x1024x16xf32> to vector<1024x16xf32>
    %slice3A_3 = vector.extract_strided_slice %get3A_2 {offsets = [1, 0, 0], sizes = [1, 1024, 16], strides = [1, 1, 1]} : vector<2x1024x16xf32> to vector<1x1024x16xf32>
    %squeeze3A_4 = vector.shape_cast %slice3A_3 : vector<1x1024x16xf32> to vector<1024x16xf32>
    %add3A = arith.addf %squeeze3A, %squeeze3A_4 : vector<1024x16xf32>
    %slice3A_5 = vector.extract_strided_slice %add3A {offsets = [0, 0], sizes = [1024, 1], strides = [1, 1]} : vector<1024x16xf32> to vector<1024x1xf32>
    %gt3A = arith.constant 0.000000e+00 : f32
    %gt3A_6 = vector.broadcast %gt3A : f32 to vector<1024x1xf32>
    %gt3A_7 = arith.cmpf ogt, %slice3A_5, %gt3A_6 : vector<1024x1xf32>
    %rsqrt3A = math.rsqrt %slice3A_5 : vector<1024x1xf32>
    %jit3A = arith.constant 0.000000e+00 : f32
    %broadcast_in_dim3A = vector.broadcast %jit3A : f32 to vector<1024x1xf32>
    %select_n3A = arith.select %gt3A_7, %rsqrt3A, %broadcast_in_dim3A : vector<1024x1xi1>, vector<1024x1xf32>
    %get3A_8 = arith.constant 0 : index
    %get3A_9 = arith.constant 0 : index
    %get3A_10 = arith.constant 0 : index
    %get3A_11 = vector.load %arg2[%get3A_8, %get3A_9, %get3A_10] : memref<2x1024x128xf32, #tpu.memory_space<vmem>>, vector<1x1024x128xf32>
    %get3A_12 = vector.shape_cast %get3A_11 : vector<1x1024x128xf32> to vector<1024x128xf32>
    %get3A_13 = arith.constant 1 : index
    %get3A_14 = arith.constant 0 : index
    %get3A_15 = arith.constant 0 : index
    %get3A_16 = vector.load %arg2[%get3A_13, %get3A_14, %get3A_15] : memref<2x1024x128xf32, #tpu.memory_space<vmem>>, vector<1x1024x128xf32>
    %get3A_17 = vector.shape_cast %get3A_16 : vector<1x1024x128xf32> to vector<1024x128xf32>
    %add3A_18 = arith.addf %get3A_12, %get3A_17 : vector<1024x128xf32>
    %mul3A = vector.broadcast %select_n3A : vector<1024x1xf32> to vector<1024x128xf32>
    %mul3A_19 = arith.mulf %add3A_18, %mul3A : vector<1024x128xf32>
    %get3A_20 = arith.constant 0 : index
    %get3A_21 = arith.constant 0 : index
    %get3A_22 = vector.load %arg3[%get3A_20, %get3A_21] : memref<1x128xf32, #tpu.memory_space<vmem>>, vector<1x128xf32>
    %add3A_23 = vector.broadcast %get3A_22 : vector<1x128xf32> to vector<1024x128xf32>
    %add3A_24 = arith.addf %mul3A_19, %add3A_23 : vector<1024x128xf32>
    %max3A = arith.constant 0.000000e+00 : f32
    %max3A_25 = vector.broadcast %max3A : f32 to vector<1024x128xf32>
    %max3A_26 = arith.maximumf %add3A_24, %max3A_25 : vector<1024x128xf32>
    %get3A_27 = arith.constant 0 : index
    %get3A_28 = arith.constant 0 : index
    %get3A_29 = vector.load %arg4[%get3A_27, %get3A_28] : memref<128x64xf32, #tpu.memory_space<vmem>>, vector<128x64xf32>
    %dot_general3A = arith.constant dense<0.000000e+00> : vector<1024x64xf32>
    %dot_general3A_30 = tpu.matmul %max3A_26, %get3A_29, %dot_general3A {dimension_numbers = #tpu.dot_dimension_numbers<[1], [0], [0], [1], [0, 0, 1, 1], [], []>, transpose_lhs_hint = false} : vector<1024x128xf32>, vector<128x64xf32>, vector<1024x64xf32> -> vector<1024x64xf32>
    %mul3A_31 = vector.broadcast %select_n3A : vector<1024x1xf32> to vector<1024x64xf32>
    %mul3A_32 = arith.mulf %dot_general3A_30, %mul3A_31 : vector<1024x64xf32>
    %swap3A = arith.constant 0 : index
    %swap3A_33 = arith.constant 0 : index
    %swap3A_34 = vector.load %arg5[%swap3A, %swap3A_33] : memref<1024x64xf32, #tpu.memory_space<vmem>>, vector<1024x64xf32>
    tpu.vector_store %arg5[%swap3A, %swap3A_33], %mul3A_32 {strides = array<i32>} : memref<1024x64xf32, #tpu.memory_space<vmem>>, vector<1024x64xf32>,
    return
  }
  func.func @transform_0(%arg0: i32) -> (i32, i32, i32) {
    %c0_i32 = arith.constant 0 : i32
    %c0_i32_0 = arith.constant 0 : i32
    %c0_i32_1 = arith.constant 0 : i32
    return %c0_i32, %arg0, %c0_i32_0 : i32, i32, i32
  }
  func.func @transform_1(%arg0: i32) -> (i32, i32, i32) {
    %c0_i32 = arith.constant 0 : i32
    %c0_i32_0 = arith.constant 0 : i32
    %c0_i32_1 = arith.constant 0 : i32
    return %c0_i32, %arg0, %c0_i32_0 : i32, i32, i32
  }
  func.func @transform_2(%arg0: i32) -> (i32, i32) {
    %c0_i32 = arith.constant 0 : i32
    %c0_i32_0 = arith.constant 0 : i32
    %c0_i32_1 = arith.constant 0 : i32
    return %c0_i32, %c0_i32_0 : i32, i32
  }
  func.func @transform_3(%arg0: i32) -> (i32, i32) {
    %c0_i32 = arith.constant 0 : i32
    %c0_i32_0 = arith.constant 0 : i32
    %c0_i32_1 = arith.constant 0 : i32
    return %c0_i32, %c0_i32_0 : i32, i32
  }
  func.func @transform_4(%arg0: i32) -> (i32, i32) {
    %c0_i32 = arith.constant 0 : i32
    %c0_i32_0 = arith.constant 0 : i32
    return %arg0, %c0_i32 : i32, i32
  }
}

module attributes {stable_mosaic.version = 14 : i64} {
  func.func @_combine_body(%arg0: i32, %arg1: memref<2x1024x16xf32, #tpu.memory_space<vmem>>, %arg2: memref<2x1024x64xf32, #tpu.memory_space<vmem>>, %arg3: memref<1x64xf32, #tpu.memory_space<vmem>>, %arg4: memref<1024x64xf32, #tpu.memory_space<vmem>>) attributes {dimension_semantics = [#tpu.dimension_semantics<arbitrary>], iteration_bounds = array<i64: 10>, scalar_prefetch = 0 : i64, scratch_operands = 0 : i64, tpu.core_type = #tpu.core_type<tc>, window_params = [{transform_indices = @transform_0, window_bounds = array<i64: 2, 1024, 16>}, {transform_indices = @transform_1, window_bounds = array<i64: 2, 1024, 64>}, {pipeline_mode = #tpu.pipeline_mode<synchronous>, transform_indices = @transform_2, window_bounds = array<i64: 1, 64>}, {transform_indices = @transform_3, window_bounds = array<i64: 1024, 64>}]} {
    %get3A = arith.constant 0 : index
    %get3A_0 = arith.constant 0 : index
    %get3A_1 = arith.constant 0 : index
    %get3A_2 = vector.load %arg1[%get3A, %get3A_0, %get3A_1] : memref<2x1024x16xf32, #tpu.memory_space<vmem>>, vector<2x1024x16xf32>
    %slice3A = vector.extract_strided_slice %get3A_2 {offsets = [0, 0, 0], sizes = [1, 1024, 16], strides = [1, 1, 1]} : vector<2x1024x16xf32> to vector<1x1024x16xf32>
    %squeeze3A = vector.shape_cast %slice3A : vector<1x1024x16xf32> to vector<1024x16xf32>
    %slice3A_3 = vector.extract_strided_slice %get3A_2 {offsets = [1, 0, 0], sizes = [1, 1024, 16], strides = [1, 1, 1]} : vector<2x1024x16xf32> to vector<1x1024x16xf32>
    %squeeze3A_4 = vector.shape_cast %slice3A_3 : vector<1x1024x16xf32> to vector<1024x16xf32>
    %add3A = arith.addf %squeeze3A, %squeeze3A_4 : vector<1024x16xf32>
    %slice3A_5 = vector.extract_strided_slice %add3A {offsets = [0, 0], sizes = [1024, 1], strides = [1, 1]} : vector<1024x16xf32> to vector<1024x1xf32>
    %gt3A = arith.constant 0.000000e+00 : f32
    %gt3A_6 = vector.broadcast %gt3A : f32 to vector<1024x1xf32>
    %gt3A_7 = arith.cmpf ogt, %slice3A_5, %gt3A_6 : vector<1024x1xf32>
    %rsqrt3A = math.rsqrt %slice3A_5 : vector<1024x1xf32>
    %jit3A = arith.constant 0.000000e+00 : f32
    %broadcast_in_dim3A = vector.broadcast %jit3A : f32 to vector<1024x1xf32>
    %select_n3A = arith.select %gt3A_7, %rsqrt3A, %broadcast_in_dim3A : vector<1024x1xi1>, vector<1024x1xf32>
    %get3A_8 = arith.constant 0 : index
    %get3A_9 = arith.constant 0 : index
    %get3A_10 = arith.constant 0 : index
    %get3A_11 = vector.load %arg2[%get3A_8, %get3A_9, %get3A_10] : memref<2x1024x64xf32, #tpu.memory_space<vmem>>, vector<1x1024x64xf32>
    %get3A_12 = vector.shape_cast %get3A_11 : vector<1x1024x64xf32> to vector<1024x64xf32>
    %get3A_13 = arith.constant 1 : index
    %get3A_14 = arith.constant 0 : index
    %get3A_15 = arith.constant 0 : index
    %get3A_16 = vector.load %arg2[%get3A_13, %get3A_14, %get3A_15] : memref<2x1024x64xf32, #tpu.memory_space<vmem>>, vector<1x1024x64xf32>
    %get3A_17 = vector.shape_cast %get3A_16 : vector<1x1024x64xf32> to vector<1024x64xf32>
    %add3A_18 = arith.addf %get3A_12, %get3A_17 : vector<1024x64xf32>
    %mul3A = vector.broadcast %select_n3A : vector<1024x1xf32> to vector<1024x64xf32>
    %mul3A_19 = arith.mulf %add3A_18, %mul3A : vector<1024x64xf32>
    %get3A_20 = arith.constant 0 : index
    %get3A_21 = arith.constant 0 : index
    %get3A_22 = vector.load %arg3[%get3A_20, %get3A_21] : memref<1x64xf32, #tpu.memory_space<vmem>>, vector<1x64xf32>
    %add3A_23 = vector.broadcast %get3A_22 : vector<1x64xf32> to vector<1024x64xf32>
    %add3A_24 = arith.addf %mul3A_19, %add3A_23 : vector<1024x64xf32>
    %swap3A = arith.constant 0 : index
    %swap3A_25 = arith.constant 0 : index
    %swap3A_26 = vector.load %arg4[%swap3A, %swap3A_25] : memref<1024x64xf32, #tpu.memory_space<vmem>>, vector<1024x64xf32>
    tpu.vector_store %arg4[%swap3A, %swap3A_25], %add3A_24 {strides = array<i32>} : memref<1024x64xf32, #tpu.memory_space<vmem>>, vector<1024x64xf32>,
    return
  }
  func.func @transform_0(%arg0: i32) -> (i32, i32, i32) {
    %c0_i32 = arith.constant 0 : i32
    %c0_i32_0 = arith.constant 0 : i32
    %c0_i32_1 = arith.constant 0 : i32
    return %c0_i32, %arg0, %c0_i32_0 : i32, i32, i32
  }
  func.func @transform_1(%arg0: i32) -> (i32, i32, i32) {
    %c0_i32 = arith.constant 0 : i32
    %c0_i32_0 = arith.constant 0 : i32
    %c0_i32_1 = arith.constant 0 : i32
    return %c0_i32, %arg0, %c0_i32_0 : i32, i32, i32
  }
  func.func @transform_2(%arg0: i32) -> (i32, i32) {
    %c0_i32 = arith.constant 0 : i32
    %c0_i32_0 = arith.constant 0 : i32
    %c0_i32_1 = arith.constant 0 : i32
    return %c0_i32, %c0_i32_0 : i32, i32
  }
  func.func @transform_3(%arg0: i32) -> (i32, i32) {
    %c0_i32 = arith.constant 0 : i32
    %c0_i32_0 = arith.constant 0 : i32
    return %arg0, %c0_i32 : i32, i32
  }
}

</mosaic_0001>

<sc_bundles>
// kernel: kernel.11.cloned.1.call-start
scs
__scs_entry_jumppad:
0x0: {  	(pc) =	sbr.rel $0x88, $3  }
0x1: {  	(tag) =	ssettag $0x0;
	lr =	simm.s32 $0x1  }
0x2: {  	[smem:$0x3F9B] =	sst lr;
	_ =	strace $0xD0000000  }
0x3: {  	_ = 	snop  }
0x4: {  	_ = 	snop  }
0x5: {  	_ = 	snop  }
0x6: {  	_ = 	snop  }
0x7: {  	_ = 	snop  }
__scs_overlays_trampoline_lowered:
0x8: {  	[smem:$0x3FAA] =	sst s0  }
0x9: {  	[smem:$0x3FAB] =	sst s1  }
0xa: {  	[smem:$0x3FAC] =	sst s2  }
0xb: {  	[smem:$0x3FAD] =	sst s3  }
0xc: {  	[smem:$0x3FAE] =	sst s4  }
0xd: {  	[smem:$0x3FAF] =	sst s5  }
0xe: {  	[smem:$0x3FB0] =	sst s6  }
0xf: {  	[smem:$0x3FB1] =	sst s7  }
0x10: {  	[smem:$0x3FB2] =	sst s8  }
0x11: {  	[smem:$0x3FB3] =	sst s9;
	s0 =	simm.s32 @!p0 $0x0  }
0x12: {  	s1 =	sld [smem:$0x3F99];
	s0 =	simm.s32 @p0 $0x1  }
0x13: {  	[smem:$0x3FB4] =	sst s0;
	s0 =	simm.s32 @!p1 $0x0  }
0x14: {  	s2 =	sld [smem:$0x3F98];
	s0 =	simm.s32 @p1 $0x1  }
0x15: {  	[smem:$0x3FB5] =	sst s0;
	s0 =	simm.s32 @!p2 $0x0  }
0x16: {  	s3 =	sld [smem:$0x3FDB];
	s0 =	simm.s32 @p2 $0x1  }
0x17: {  	s4 =	simm.s32 $0x1BF5;
	[smem:$0x3FB7] =	sst s0  }
0x18: {  	s0 =	sld [smem:$0x3F9A];
	_ =	swait.ge [sflag:s4], $0x0  }
0x19: {  	s7 =	sld [smem:$0x3F9B]  }
0x1a: {  	s8 =	sadd.s32 $0xFFFFE003, lr  }
0x1b: {  	s9 =	sadd.s32 $0xFFFFFEF7, lr;
	s5 =	simm.s32 $0xFFFFFFFF;
	p2 =	slt.u32 s8, $0xFFFFF086  }
0x1c: {  	p1 =	slt.u32 s9, $0xF7A;
	s5 =	simm.s32 @!p2 $0x0  }
0x1d: {  	s5 =	simm.s32 @p1 $0x1;
	p0 =	seq.s32 s7, s2  }
0x1e: {  	s7 =	smul.u32 @!p0 $0xF7A, s2;
	p2 =	seq.s32 @!p0 s5, $0x0  }
0x1f: {  	s9 =	smul.u32 $0xF7A, s1;
	s8 =	simm.s32 @!p0 $0x1BF5;
	p2 =	por !p2, p0  }
0x20: {  	[sflag:s8] =	ssyncset.s32 @!p0 $0xFFFFF086;
	s6 =	sadd.s32 @!p0 s3, s7;
	s7 =	simm.s32 @!p0 $0x108  }
0x21: {  	s3 =	sadd.s32 s3, s9;
	s6 =	sadd.s32 @!p0 $0x88, s6;
	s7 =	simm.s32 @p2 $0x1082  }
0x22: {  	[simem:s7], [sflag:s8] =	dma.local @!p0 [hbm:s6], $0xF7A  }
0x23: {  	s9 =	sor.u32 $0xD0000000, s2;
	s6 =	simm.s32 $0x108;
	_ =	swait.ge @!p0 [sflag:s8], $0x0  }
0x24: {  	s3 =	sadd.s32 $0x88, s3;
	s6 =	simm.s32 @!p1 $0x1082;
	[sflag:s4] =	ssyncset.s32 $0xFFFFF086  }
0x25: {  	[simem:s6], [sflag:s4] =	dma.local [hbm:s3], $0xF7A  }
0x26: {  	[smem:$0x3F9B] =	sst s1;
	(tag) =	ssettag s2;
	_ =	strace s9  }
0x27: {  	s1 =	sld [smem:$0x3FAB]  }
0x28: {  	s2 =	sld [smem:$0x3FAC]  }
0x29: {  	s4 =	sld [smem:$0x3FAE]  }
0x2a: {  	p0 =	seq.s32 s5, $0x0;
	s5 =	sld [smem:$0x3FAF]  }
0x2b: {  	s6 =	sld [smem:$0x3FB0]  }
0x2c: {  	s7 =	sld [smem:$0x3FB1]  }
0x2d: {  	s3 =	simm.s32 $0x108;
	s8 =	sld [smem:$0x3FB2]  }
0x2e: {  	s3 =	simm.s32 @!p0 $0x1082;
	s9 =	sld [smem:$0x3FB3]  }
0x2f: {  	lr =	sadd.s32 s0, s3;
	s0 =	sld [smem:$0x3FAA]  }
0x30: {  	s3 =	sld [smem:$0x3FAD]  }
0x31: {  	[smem:$0x3FB6] =	sst s10  }
0x32: {  	s10 =	sld [smem:$0x3FB4];
	_ =	sdelay $0x3  }
0x33: {  	p0 =	seq.s32 s10, $0x1;
	s10 =	sld [smem:$0x3FB6];
	_ =	sdelay $0x3  }
0x34: {  	[smem:$0x3FB6] =	sst s10  }
0x35: {  	s10 =	sld [smem:$0x3FB5];
	_ =	sdelay $0x3  }
0x36: {  	p1 =	seq.s32 s10, $0x1;
	s10 =	sld [smem:$0x3FB6];
	_ =	sdelay $0x3  }
0x37: {  	[smem:$0x3FB6] =	sst s10  }
0x38: {  	s10 =	sld [smem:$0x3FB7]  }
0x39: {  	_ = 	snop;
	(pc) =	sbr.ind lr, $3  }
0x3a: {  	_ = 	snop  }
0x3b: {  	_ = 	snop  }
0x3c: {  	p2 =	seq.s32 s10, $0x1;
	s10 =	sld [smem:$0x3FB6]  }
0x3d: {  	_ =	shalt  }
0x3e: {  	_ =	shalt  }
0x3f: {  	_ =	shalt  }
0x40: {  	_ =	shalt  }
0x41: {  	_ =	shalt  }
0x42: {  	_ =	shalt  }
0x43: {  	_ =	shalt  }
0x44: {  	_ =	shalt  }
0x45: {  	_ =	shalt  }
0x46: {  	_ =	shalt  }
0x47: {  	_ =	shalt  }
0x48: {  	_ =	shalt  }
0x49: {  	_ =	shalt  }
0x4a: {  	_ =	shalt  }
0x4b: {  	_ =	shalt  }
0x4c: {  	_ =	shalt  }
0x4d: {  	_ =	shalt  }
0x4e: {  	_ =	shalt  }
0x4f: {  	_ =	shalt  }
0x50: {  	_ =	shalt  }
0x51: {  	_ =	shalt  }
0x52: {  	_ =	shalt  }
0x53: {  	_ =	shalt  }
0x54: {  	_ =	shalt  }
0x55: {  	_ =	shalt  }
0x56: {  	_ =	shalt  }
0x57: {  	_ =	shalt  }
0x58: {  	_ =	shalt  }
0x59: {  	_ =	shalt  }
0x5a: {  	_ =	shalt  }
0x5b: {  	_ =	shalt  }
0x5c: {  	_ =	shalt  }
0x5d: {  	_ =	shalt  }
0x5e: {  	_ =	shalt  }
0x5f: {  	_ =	shalt  }
0x60: {  	_ =	shalt  }
0x61: {  	_ =	shalt  }
0x62: {  	_ =	shalt  }
0x63: {  	_ =	shalt  }
0x64: {  	_ =	shalt  }
0x65: {  	_ =	shalt  }
0x66: {  	_ =	shalt  }
0x67: {  	_ =	shalt  }
0x68: {  	_ =	shalt  }
0x69: {  	_ =	shalt  }
0x6a: {  	_ =	shalt  }
0x6b: {  	_ =	shalt  }
0x6c: {  	_ =	shalt  }
0x6d: {  	_ =	shalt  }
0x6e: {  	_ =	shalt  }
0x6f: {  	_ =	shalt  }
0x70: {  	_ =	shalt  }
0x71: {  	_ =	shalt  }
0x72: {  	_ =	shalt  }
0x73: {  	_ =	shalt  }
0x74: {  	_ =	shalt  }
0x75: {  	_ =	shalt  }
0x76: {  	_ =	shalt  }
0x77: {  	_ =	shalt  }
0x78: {  	_ =	shalt  }
0x79: {  	_ =	shalt  }
0x7a: {  	_ =	shalt  }
0x7b: {  	_ =	shalt  }
0x7c: {  	_ =	shalt  }
0x7d: {  	_ =	shalt  }
0x7e: {  	_ =	shalt  }
0x7f: {  	_ =	shalt  }
0x80: {  	_ =	shalt  }
0x81: {  	_ =	shalt  }
0x82: {  	_ =	shalt  }
0x83: {  	_ =	shalt  }
0x84: {  	_ =	shalt  }
0x85: {  	_ =	shalt  }
0x86: {  	_ =	shalt  }
0x87: {  	_ =	shalt  }
.Lfunc_end0:
.L_simem_size_0:
called_computation.1_lowered:
.L_overlay_start_0:
0x88: {  	s2 =	sld [smem:$0x3FD9]  }
0x89: {  	s3 =	sld [smem:$0x3FFE];
	_ =	sdelay $0x1  }
0x8a: {  	s1 =	srdreg.scid  }
0x8b: {  	s0 =	sand.u32 $0x1, s1  }
0x8c: {  	s17 =	sshll.u32 s0, $0xA;
	s2 =	sadd.s32 s3, s2  }
0x8d: {  	s2 =	sadd.s32 s2, s17  }
0x8e: {  	[smem:$0x3FC2] =	sst s2  }
0x8f: {  	_ = 	snop  }
0x90: {  	s2 =	sld [smem:$0x3FD0];
	(tm) =	ssettm $0x1  }
0x91: {  	s18 =	sld [smem:$0x3FFB];
	_ =	sdelay $0x3  }
0x92: {  	_ =	strace s18  }
0x93: {  	s3 =	sld [smem:$0x3FFC];
	_ =	sdelay $0x3  }
0x94: {  	_ =	strace s3  }
0x95: {  	s3 =	sld [smem:$0x3FFD];
	_ =	sdelay $0x3  }
0x96: {  	_ =	strace s3  }
0x97: {  	_ =	strace $0x8FFFFFFF  }
0x98: {  	s19 =	sld [smem:$0x3FDB];
	_ =	sdelay $0x1  }
0x99: {  	s4 =	simm.s32 $_scs_section_size  }
0x9a: {  	s5 =	simm.s32 $_size__tile_overlayer_lowered;
	s6 =	simm.s32 $_tile_overlayer_lowered  }
0x9b: {  	s22 =	simm.s32 $0x1BFF;
	s21 =	sshll.u32 s6, $0x1;
	s3 =	sadd.s32 s4, s19  }
0x9c: {  	s7 =	simm.s32 $0x0;
	s20 =	sshll.u32 s5, $0x1;
	s5 =	sadd.s32 s21, s3  }
0x9d: {  	[timem:s7], [sflag:s22] =	dma.local [hbm:s5], s20  }
0x9e: {  	_ =	swait.ge [sflag:s22], s20  }
0x9f: {  	s4 =	ssub.s32 $0x0, s20;
	[sflag:s22] =	ssyncset.done $0x0  }
0xa0: {  	[sflag:s22] =	ssyncadd.s32 s4;
	_ =	sdelay $0x1  }
0xa1: {  	s23 =	simm.s32 $0x1B8B  }
0xa2: {  	_ =	swait.ge [sflag:s23], $0x1  }
0xa3: {  	[sflag:s23] =	ssyncset.done $0x0  }
0xa4: {  	s25 =	simm.s32 $0x1B8E;
	s24 =	sld [smem:$0x3FFE];
	[sflag:s23] =	ssyncadd.s32 $0xFFFFFFFF  }
0xa5: {  	s26 =	simm.s32 $execute0_lowered;
	[smem:$0x3FD2] =	sst s25  }
0xa6: {  	s5 =	sshll.u32 s26, $0x1;
	_ =	strace $0x80000049;
	[dreg:$0x1] =	wrdreg $0xFFFFFFFF  }
0xa7: {  	s28 =	simm.s32 $_size_execute0_lowered;
	s3 =	sadd.s32 s3, s5;
	[dreg:$0x0] =	wrdreg $0x0  }
0xa8: {  	s5 =	sshll.u32 s28, $0x1;
	[dreg:$0x2] =	wrdreg s3  }
0xa9: {  	[dreg:$0x3] =	wrdreg s5  }
0xaa: {  	[dreg:$0x4] =	wrdreg $0xC0  }
0xab: {  	_ =	task [dreg:s7], $0x5FFFF  }
0xac: {  	[dreg:$0x1] =	wrdreg $0xFFFFFFFF  }
0xad: {  	[dreg:$0x0] =	wrdreg $0x60  }
0xae: {  	[dreg:$0x2] =	wrdreg s24  }
0xaf: {  	[dreg:$0x3] =	wrdreg s2  }
0xb0: {  	[dreg:$0x4] =	wrdreg $0x91000  }
0xb1: {  	[dreg:$0x5] =	wrdreg $0x9  }
0xb2: {  	_ =	task.clear_ibuf [dreg:s7], $0x6FFFF;
	_ =	strace $0x90000049  }
0xb3: {  	s29 =	simm.s32 $0x9;
	_ =	strace $0x8000004B  }
0xb4: {  	_ =	swait.ge [sflag:s29], $0x1  }
0xb5: {  	[sflag:s29] =	ssyncadd.s32 $0xFFFFFFFF  }
0xb6: {  	_ =	strace $0x9000004B  }
0xb7: {  	_ =	sfence  }
0xb8: {  	s30 =	sld [smem:$0x0];
	_ =	sdelay $0x2  }
0xb9: {  	s31 =	sshll.u32 s1, $0xD;
	s1 =	sshrl.u32 s1, $0x2  }
0xba: {  	s3 =	sand.u32 $0x4000, s31;
	s1 =	sadd.s32 s1, s30  }
0xbb: {  	s0 =	sor.u32 s3, s0;
	s1 =	sshll.u32 s1, $0x11  }
0xbc: {  	s0 =	sor.u32 s1, s0  }
0xbd: {  	s0 =	sadd.s32 $0x8F2B, s0  }
0xbe: {  	[sflag:s0] =	ssyncadd.remote.s32 $0x1  }
0xbf: {  	_ =	sfence.sel $0xFFFF  }
0xc0: {  	[dreg:$0x0] =	wrdreg $0xFFFFFFFF;
	(pc) =	sbr.abs _section_cstart, $3  }
0xc1: {  	[dreg:$0x1] =	wrdreg $0xFFFFFFFF  }
0xc2: {  	_ =	task.clear_ibuf [dreg:s7], $0x2FFFF;
	_ =	strace $0x9FFFFFFF  }
0xc3: {  	(tm) =	ssettm $0x7FFFFFFF  }
tec
execute0_lowered:
.L_overlay_start_1:
0x0: {  	(tag) =	ssettag $0x1  }
0x1: {  	s5 =	rddreg [dreg:$0x0]  }
0x2: {  	s1 =	srdreg.scid;
	s6 =	rddreg [dreg:$0x1]  }
0x3: {  	s0 =	stileid.u32;
	s2 =	rddreg [dreg:$0x2]  }
0x4: {  	s3 =	simm.s32 $0x0;
	s14 =	simm.s32 $0x2;
	s15 =	simm.s32 $0x2880  }
0x5: {  	s16 =	simm.s32 $0x5100;
	s17 =	simm.s32 $0x80;
	s18 =	simm.s32 $0x1  }
0x6: {  	s21 =	simm.s32 $0x0;
	s4 =	sand.u32 $0x1, s1;
	s9 =	smul.u32 $0x14000, s0  }
0x7: {  	s29 =	sshll.u32 s0, $0x1;
	[smem:$0x7FF] =	sst s3;
	s12 =	smul.u32 $0x50000, s0  }
0x8: {  	s19 =	sshll.u32 s0, $0x6;
	s1 =	sor.u32 s4, s29;
	s8 =	smul.u32 $0x140000, s4  }
0x9: {  	s11 =	ssub.s32 $0x2, s4;
	s4 =	sadd.s32 $0x15800, s5;
	s19 =	sor.u32 $0x1C02, s19  }
0xa: {  	s7 =	smul.u32 $0x510, s1;
	s1 =	rddreg [dreg:$0x3];
	_ =	strace $0x8000004A  }
0xb: {  	s30 =	sshrl.u32 s11, $0x1;
	s31 =	sshrl.u32 s12, $0x2;
	s20 =	sadd.s32 s9, s2  }
0xc: {  	s8 =	sadd.s32 s9, s8;
	s11 =	ssub.s32 s11, s30;
	s20 =	sshrl.u32 s20, $0x3  }
0xd: {  	s10 =	sadd.s32 s7, s5;
	s8 =	sshrl.u32 s8, $0x3;
	s6 =	sadd.s32 s6, s7  }
0xe: {  	s7 =	sadd.s32 s31, s2;
	s9 =	smax.u32 s11, $0x1;
	s8 =	sadd.s32 s8, s5  }
0xf: {  	s5 =	sadd.s32 $0xB600, s10;
	s10 =	sadd.s32 $0x4000, s7;
	s11 =	sadd.s32 $0x8000, s7  }
0x10: {  	v0 =	vimm.f32 $0.0e+00;
	s12 =	sadd.s32 $0xC000, s7;
	s13 =	sadd.s32 $0x10000, s7;
	s8 =	sadd.s32 $0x3D800, s8  }
.LBB2_1:
0x11: {  	[tilespmem:s3], [sflag:$0x2] =	stream.linear.gather [hbm4b:s5+s3], $0x2880, $0x38;
	[tilespmem:$0x1D100] =	vst v63  }
0x12: {  	_ =	swait.ge [sflag:s14], $0x2880  }
0x13: {  	[sflag:s14] =	ssyncset.done $0x0  }
0x14: {  	[sflag:s14] =	ssyncadd.s32 $0xFFFFD780  }
0x15: {  	[tilespmem:s15], [sflag:$0x2] =	stream.linear.gather [hbm4b:s6+s3], $0x2880, $0x38;
	[tilespmem:$0x1D100] =	vst v63  }
0x16: {  	s22 =	sand.u32 $0xFE00, s3;
	s23 =	sand.u32 $0x70, s3;
	_ =	swait.ge [sflag:s14], $0x2880  }
0x17: {  	s24 =	sshrl.u32 s22, $0x2;
	s22 =	simm.s32 $0x40;
	[sflag:s14] =	ssyncset.done $0x0  }
0x18: {  	s24 =	sor.u32 s23, s24;
	s23 =	simm.s32 $0x0;
	[sflag:s14] =	ssyncadd.s32 $0xFFFFD780  }
.LBB2_2:
0x19: {  	p0 =	sne.s32 s22, $0xFFC0  }
0x1a: {  	[tilespmem:s24+$0x5100] =	vst v0;
	s23 =	sadd.s32 $0x10, s23;
	s24 =	smov.u32 s22;
	s22 =	sadd.s32 $0x40, s22  }
.Ltmp0:
0x1b: {  	(pc) =	sbr.rel @p0 .LBB2_2-.Ltmp0, $4  }
0x1c: {  	_ = 	snop  }
0x1d: {  	s24 =	sand.u32 $0xFE00, s24  }
0x1e: {  	s25 =	sand.u32 $0x70, s23;
	s24 =	sshrl.u32 s24, $0x2  }
0x1f: {  	s24 =	sor.u32 s25, s24  }
0x20: {  	[tilespmem:s24+$0x5100] =	vst v0  }
0x21: {  	[spmem:s7] =	stream.linear.scatter [tilespmem:s16], [sflag:$0x2], $0x4000, $0x38;
	[tilespmem:$0x1D100] =	vst v63  }
0x22: {  	_ =	swait.ge [sflag:s14], $0x4000  }
0x23: {  	[sflag:s14] =	ssyncset.done $0x0  }
0x24: {  	[sflag:s14] =	ssyncadd.s32 $0xFFFFC000  }
0x25: {  	[spmem:s10] =	stream.linear.scatter [tilespmem:s16], [sflag:$0x2], $0x4000, $0x38;
	[tilespmem:$0x1D100] =	vst v63  }
0x26: {  	_ =	swait.ge [sflag:s14], $0x4000  }
0x27: {  	[sflag:s14] =	ssyncset.done $0x0  }
0x28: {  	[sflag:s14] =	ssyncadd.s32 $0xFFFFC000  }
0x29: {  	[spmem:s11] =	stream.linear.scatter [tilespmem:s16], [sflag:$0x2], $0x4000, $0x38;
	[tilespmem:$0x1D100] =	vst v63  }
0x2a: {  	_ =	swait.ge [sflag:s14], $0x4000  }
0x2b: {  	[sflag:s14] =	ssyncset.done $0x0  }
0x2c: {  	[sflag:s14] =	ssyncadd.s32 $0xFFFFC000  }
0x2d: {  	[spmem:s12] =	stream.linear.scatter [tilespmem:s16], [sflag:$0x2], $0x4000, $0x38;
	[tilespmem:$0x1D100] =	vst v63  }
0x2e: {  	_ =	swait.ge [sflag:s14], $0x4000  }
0x2f: {  	[sflag:s14] =	ssyncset.done $0x0  }
0x30: {  	[sflag:s14] =	ssyncadd.s32 $0xFFFFC000  }
0x31: {  	[spmem:s13] =	stream.linear.scatter [tilespmem:s16], [sflag:$0x2], $0x4000, $0x38;
	[tilespmem:$0x1D100] =	vst v63  }
0x32: {  	_ =	swait.ge [sflag:s14], $0x4000  }
0x33: {  	[sflag:s14] =	ssyncset.done $0x0  }
0x34: {  	[sflag:s14] =	ssyncadd.s32 $0xFFFFC000  }
0x35: {  	s22 =	simm.s32 $0x0;
	[bflag:$0x0] =	sbarrier.arrive $0xFFFF  }
0x36: {  	[tilespmem:s16], [sflag:$0x1] =	stream.indirect.gather [hbm4b:s4+s17], $0x80, s22, s17, $0xb8;
	[tilespmem:$0x1D100] =	vst v63  }
0x37: {  	_ =	swait.ge [sflag:s18], $0x4000  }
0x38: {  	[sflag:s18] =	ssyncset.done $0x0  }
0x39: {  	s31 =	simm.s32 $0x2880;
	[sflag:s18] =	ssyncadd.s32 $0xFFFFC000  }
0x3a: {  	[spmem:s2] =	stream.indirect.scatter.add.f32 [tilespmem:s16], [sflag:$0x2], $0x80, s31, s17, $0xb8;
	[tilespmem:$0x1D100] =	vst v63  }
0x3b: {  	_ =	swait.ge [sflag:s14], $0x4000  }
0x3c: {  	s23 =	simm.s32 $0x400;
	s22 =	simm.s32 $0x200;
	[sflag:s14] =	ssyncset.done $0x0  }
.LBB2_4:
0x3d: {  	s24 =	sshra.s32 s22, $0x2  }
0x3e: {  	[sflag:s14] =	ssyncadd.s32 $0xFFFFC000;
	s22 =	smov.u32 s23;
	s25 =	sadd.s32 $0x200, s23  }
0x3f: {  	[tilespmem:s16], [sflag:$0x1] =	stream.indirect.gather [hbm4b:s4+s17], $0x80, s24, s17, $0xb8;
	[tilespmem:$0x1D100] =	vst v63  }
0x40: {  	p0 =	sne.s32 s23, $0xA000;
	_ =	swait.ge [sflag:s18], $0x4000  }
.Ltmp1:
0x41: {  	[sflag:s18] =	ssyncset.done $0x0;
	(pc) =	sbr.rel @p0 .LBB2_4-.Ltmp1, $4  }
0x42: {  	s23 =	sadd.s32 $0x2880, s24;
	[sflag:s18] =	ssyncadd.s32 $0xFFFFC000  }
0x43: {  	[spmem:s2] =	stream.indirect.scatter.add.f32 [tilespmem:s16], [sflag:$0x2], $0x80, s23, s17, $0xb8;
	[tilespmem:$0x1D100] =	vst v63  }
0x44: {  	_ =	swait.ge [sflag:s14], $0x4000  }
0x45: {  	s23 =	smov.u32 s25;
	[sflag:s14] =	ssyncset.done $0x0  }
0x46: {  	s22 =	sshra.s32 s22, $0x2;
	[sflag:s14] =	ssyncadd.s32 $0xFFFFC000  }
0x47: {  	[tilespmem:s16], [sflag:$0x1] =	stream.indirect.gather [hbm4b:s4+s17], $0x80, s22, s17, $0xb8;
	[tilespmem:$0x1D100] =	vst v63  }
0x48: {  	_ =	swait.ge [sflag:s18], $0x4000  }
0x49: {  	[sflag:s18] =	ssyncset.done $0x0  }
0x4a: {  	s22 =	sadd.s32 $0x2880, s22;
	[sflag:s18] =	ssyncadd.s32 $0xFFFFC000  }
0x4b: {  	[spmem:s2] =	stream.indirect.scatter.add.f32 [tilespmem:s16], [sflag:$0x2], $0x80, s22, s17, $0xb8;
	[tilespmem:$0x1D100] =	vst v63  }
0x4c: {  	_ =	swait.ge [sflag:s14], $0x4000  }
0x4d: {  	s21 =	sadd.s32 $0x1, s21;
	[sflag:s14] =	ssyncset.done $0x0  }
0x4e: {  	p0 =	sne.s32 s21, s9;
	[sflag:s14] =	ssyncadd.s32 $0xFFFFC000  }
.Ltmp2:
0x4f: {  	[bflag:$0x0] =	sbarrier.arrive $0xFFFF;
	(pc) =	sbr.rel @p0 .LBB2_1-.Ltmp2, $4  }
0x50: {  	[hbm:s8], [sflag:s19] =	dma.local [spmem:s20], $0x2800  }
0x51: {  	_ =	swait.ge [sflag:s14], $0x2800  }
0x52: {  	[sflag:s14] =	ssyncset.done $0x0  }
0x53: {  	[sflag:s14] =	ssyncadd.s32 $0xFFFFD800  }
0x54: {  	_ =	sfence.sel $0x180000  }
0x55: {  	[bflag:$0x0] =	sbarrier.arrive $0xFFFF  }
0x56: {  	p0 =	sne.s32 s0, $0x0;
	_ =	strace $0x9000004A  }
0x57: {  	s0 =	sadd.s32 @!p0 $0x100000, s1;
	[bflag:$0x2] =	sbarrier.arrive $0xFFFF  }
0x58: {  	[sflag:s0] =	ssyncadd.tile.s32 @!p0 $0x1;
	_ =	shalt  }
.Lfunc_end2:
_tile_overlayer_lowered:
.L_overlay_start_2:
0x59: {  	(tag) =	ssettag $0x2  }
0x5a: {  	s0 =	rddreg [dreg:$0x0];
	s2 =	stileid.u32  }
0x5b: {  	s1 =	rddreg [dreg:$0x1];
	p0 =	sne.s32 s2, $0x0  }
0x5c: {  	s3 =	rddreg [dreg:$0x2];
	[bflag:$0x3] =	sbarrier.arrive $0xFFFF;
	s2 =	simm.s32 @!p0 $0x1C02  }
0x5d: {  	[timem:s3], [sflag:s2] =	dma.local @!p0 [hbm:s0], s1  }
0x5e: {  	s0 =	simm.s32 @!p0 $0x2  }
0x5f: {  	_ =	swait.ge @!p0 [sflag:s0], s1  }
0x60: {  	s1 =	ssub.s32 @!p0 $0x0, s1;
	[sflag:s0] =	ssyncset.done @!p0 $0x0  }
0x61: {  	[sflag:s0] =	ssyncadd.s32 @!p0 s1  }
0x62: {  	[bflag:$0x3] =	sbarrier.arrive $0xFFFF  }
0x63: {  	_ =	shalt  }

// kernel: kernel.14.cloned.1.call-start
scs
__scs_entry_jumppad:
0x0: {  	(pc) =	sbr.rel $0x88, $3  }
0x1: {  	(tag) =	ssettag $0x0;
	lr =	simm.s32 $0x1  }
0x2: {  	[smem:$0x3F9B] =	sst lr;
	_ =	strace $0xD0000000  }
0x3: {  	_ = 	snop  }
0x4: {  	_ = 	snop  }
0x5: {  	_ = 	snop  }
0x6: {  	_ = 	snop  }
0x7: {  	_ = 	snop  }
__scs_overlays_trampoline_lowered:
0x8: {  	[smem:$0x3FAA] =	sst s0  }
0x9: {  	[smem:$0x3FAB] =	sst s1  }
0xa: {  	[smem:$0x3FAC] =	sst s2  }
0xb: {  	[smem:$0x3FAD] =	sst s3  }
0xc: {  	[smem:$0x3FAE] =	sst s4  }
0xd: {  	[smem:$0x3FAF] =	sst s5  }
0xe: {  	[smem:$0x3FB0] =	sst s6  }
0xf: {  	[smem:$0x3FB1] =	sst s7  }
0x10: {  	[smem:$0x3FB2] =	sst s8  }
0x11: {  	[smem:$0x3FB3] =	sst s9;
	s0 =	simm.s32 @!p0 $0x0  }
0x12: {  	s1 =	sld [smem:$0x3F99];
	s0 =	simm.s32 @p0 $0x1  }
0x13: {  	[smem:$0x3FB4] =	sst s0;
	s0 =	simm.s32 @!p1 $0x0  }
0x14: {  	s2 =	sld [smem:$0x3F98];
	s0 =	simm.s32 @p1 $0x1  }
0x15: {  	[smem:$0x3FB5] =	sst s0;
	s0 =	simm.s32 @!p2 $0x0  }
0x16: {  	s3 =	sld [smem:$0x3FDB];
	s0 =	simm.s32 @p2 $0x1  }
0x17: {  	s4 =	simm.s32 $0x1BF5;
	[smem:$0x3FB7] =	sst s0  }
0x18: {  	s0 =	sld [smem:$0x3F9A];
	_ =	swait.ge [sflag:s4], $0x0  }
0x19: {  	s7 =	sld [smem:$0x3F9B]  }
0x1a: {  	s8 =	sadd.s32 $0xFFFFE003, lr  }
0x1b: {  	s9 =	sadd.s32 $0xFFFFFEF7, lr;
	s5 =	simm.s32 $0xFFFFFFFF;
	p2 =	slt.u32 s8, $0xFFFFF086  }
0x1c: {  	p1 =	slt.u32 s9, $0xF7A;
	s5 =	simm.s32 @!p2 $0x0  }
0x1d: {  	s5 =	simm.s32 @p1 $0x1;
	p0 =	seq.s32 s7, s2  }
0x1e: {  	s7 =	smul.u32 @!p0 $0xF7A, s2;
	p2 =	seq.s32 @!p0 s5, $0x0  }
0x1f: {  	s9 =	smul.u32 $0xF7A, s1;
	s8 =	simm.s32 @!p0 $0x1BF5;
	p2 =	por !p2, p0  }
0x20: {  	[sflag:s8] =	ssyncset.s32 @!p0 $0xFFFFF086;
	s6 =	sadd.s32 @!p0 s3, s7;
	s7 =	simm.s32 @!p0 $0x108  }
0x21: {  	s3 =	sadd.s32 s3, s9;
	s6 =	sadd.s32 @!p0 $0x88, s6;
	s7 =	simm.s32 @p2 $0x1082  }
0x22: {  	[simem:s7], [sflag:s8] =	dma.local @!p0 [hbm:s6], $0xF7A  }
0x23: {  	s9 =	sor.u32 $0xD0000000, s2;
	s6 =	simm.s32 $0x108;
	_ =	swait.ge @!p0 [sflag:s8], $0x0  }
0x24: {  	s3 =	sadd.s32 $0x88, s3;
	s6 =	simm.s32 @!p1 $0x1082;
	[sflag:s4] =	ssyncset.s32 $0xFFFFF086  }
0x25: {  	[simem:s6], [sflag:s4] =	dma.local [hbm:s3], $0xF7A  }
0x26: {  	[smem:$0x3F9B] =	sst s1;
	(tag) =	ssettag s2;
	_ =	strace s9  }
0x27: {  	s1 =	sld [smem:$0x3FAB]  }
0x28: {  	s2 =	sld [smem:$0x3FAC]  }
0x29: {  	s4 =	sld [smem:$0x3FAE]  }
0x2a: {  	p0 =	seq.s32 s5, $0x0;
	s5 =	sld [smem:$0x3FAF]  }
0x2b: {  	s6 =	sld [smem:$0x3FB0]  }
0x2c: {  	s7 =	sld [smem:$0x3FB1]  }
0x2d: {  	s3 =	simm.s32 $0x108;
	s8 =	sld [smem:$0x3FB2]  }
0x2e: {  	s3 =	simm.s32 @!p0 $0x1082;
	s9 =	sld [smem:$0x3FB3]  }
0x2f: {  	lr =	sadd.s32 s0, s3;
	s0 =	sld [smem:$0x3FAA]  }
0x30: {  	s3 =	sld [smem:$0x3FAD]  }
0x31: {  	[smem:$0x3FB6] =	sst s10  }
0x32: {  	s10 =	sld [smem:$0x3FB4];
	_ =	sdelay $0x3  }
0x33: {  	p0 =	seq.s32 s10, $0x1;
	s10 =	sld [smem:$0x3FB6];
	_ =	sdelay $0x3  }
0x34: {  	[smem:$0x3FB6] =	sst s10  }
0x35: {  	s10 =	sld [smem:$0x3FB5];
	_ =	sdelay $0x3  }
0x36: {  	p1 =	seq.s32 s10, $0x1;
	s10 =	sld [smem:$0x3FB6];
	_ =	sdelay $0x3  }
0x37: {  	[smem:$0x3FB6] =	sst s10  }
0x38: {  	s10 =	sld [smem:$0x3FB7]  }
0x39: {  	_ = 	snop;
	(pc) =	sbr.ind lr, $3  }
0x3a: {  	_ = 	snop  }
0x3b: {  	_ = 	snop  }
0x3c: {  	p2 =	seq.s32 s10, $0x1;
	s10 =	sld [smem:$0x3FB6]  }
0x3d: {  	_ =	shalt  }
0x3e: {  	_ =	shalt  }
0x3f: {  	_ =	shalt  }
0x40: {  	_ =	shalt  }
0x41: {  	_ =	shalt  }
0x42: {  	_ =	shalt  }
0x43: {  	_ =	shalt  }
0x44: {  	_ =	shalt  }
0x45: {  	_ =	shalt  }
0x46: {  	_ =	shalt  }
0x47: {  	_ =	shalt  }
0x48: {  	_ =	shalt  }
0x49: {  	_ =	shalt  }
0x4a: {  	_ =	shalt  }
0x4b: {  	_ =	shalt  }
0x4c: {  	_ =	shalt  }
0x4d: {  	_ =	shalt  }
0x4e: {  	_ =	shalt  }
0x4f: {  	_ =	shalt  }
0x50: {  	_ =	shalt  }
0x51: {  	_ =	shalt  }
0x52: {  	_ =	shalt  }
0x53: {  	_ =	shalt  }
0x54: {  	_ =	shalt  }
0x55: {  	_ =	shalt  }
0x56: {  	_ =	shalt  }
0x57: {  	_ =	shalt  }
0x58: {  	_ =	shalt  }
0x59: {  	_ =	shalt  }
0x5a: {  	_ =	shalt  }
0x5b: {  	_ =	shalt  }
0x5c: {  	_ =	shalt  }
0x5d: {  	_ =	shalt  }
0x5e: {  	_ =	shalt  }
0x5f: {  	_ =	shalt  }
0x60: {  	_ =	shalt  }
0x61: {  	_ =	shalt  }
0x62: {  	_ =	shalt  }
0x63: {  	_ =	shalt  }
0x64: {  	_ =	shalt  }
0x65: {  	_ =	shalt  }
0x66: {  	_ =	shalt  }
0x67: {  	_ =	shalt  }
0x68: {  	_ =	shalt  }
0x69: {  	_ =	shalt  }
0x6a: {  	_ =	shalt  }
0x6b: {  	_ =	shalt  }
0x6c: {  	_ =	shalt  }
0x6d: {  	_ =	shalt  }
0x6e: {  	_ =	shalt  }
0x6f: {  	_ =	shalt  }
0x70: {  	_ =	shalt  }
0x71: {  	_ =	shalt  }
0x72: {  	_ =	shalt  }
0x73: {  	_ =	shalt  }
0x74: {  	_ =	shalt  }
0x75: {  	_ =	shalt  }
0x76: {  	_ =	shalt  }
0x77: {  	_ =	shalt  }
0x78: {  	_ =	shalt  }
0x79: {  	_ =	shalt  }
0x7a: {  	_ =	shalt  }
0x7b: {  	_ =	shalt  }
0x7c: {  	_ =	shalt  }
0x7d: {  	_ =	shalt  }
0x7e: {  	_ =	shalt  }
0x7f: {  	_ =	shalt  }
0x80: {  	_ =	shalt  }
0x81: {  	_ =	shalt  }
0x82: {  	_ =	shalt  }
0x83: {  	_ =	shalt  }
0x84: {  	_ =	shalt  }
0x85: {  	_ =	shalt  }
0x86: {  	_ =	shalt  }
0x87: {  	_ =	shalt  }
.Lfunc_end0:
.L_simem_size_0:
called_computation.2_lowered:
.L_overlay_start_0:
0x88: {  	s2 =	sld [smem:$0x3FD9]  }
0x89: {  	s3 =	sld [smem:$0x3FFE];
	_ =	sdelay $0x1  }
0x8a: {  	s1 =	srdreg.scid  }
0x8b: {  	s0 =	sand.u32 $0x1, s1  }
0x8c: {  	s17 =	sshll.u32 s0, $0xA;
	s2 =	sadd.s32 s3, s2  }
0x8d: {  	s2 =	sadd.s32 s2, s17  }
0x8e: {  	[smem:$0x3FC2] =	sst s2  }
0x8f: {  	_ = 	snop  }
0x90: {  	s2 =	sld [smem:$0x3FD0];
	(tm) =	ssettm $0x1  }
0x91: {  	s18 =	sld [smem:$0x3FFB];
	_ =	sdelay $0x3  }
0x92: {  	_ =	strace s18  }
0x93: {  	s3 =	sld [smem:$0x3FFC];
	_ =	sdelay $0x3  }
0x94: {  	_ =	strace s3  }
0x95: {  	s3 =	sld [smem:$0x3FFD];
	_ =	sdelay $0x3  }
0x96: {  	_ =	strace s3  }
0x97: {  	_ =	strace $0x8FFFFFFF  }
0x98: {  	s19 =	sld [smem:$0x3FDB];
	_ =	sdelay $0x1  }
0x99: {  	s4 =	simm.s32 $_scs_section_size  }
0x9a: {  	s5 =	simm.s32 $_size__tile_overlayer_lowered;
	s6 =	simm.s32 $_tile_overlayer_lowered  }
0x9b: {  	s22 =	simm.s32 $0x1BFF;
	s21 =	sshll.u32 s6, $0x1;
	s3 =	sadd.s32 s4, s19  }
0x9c: {  	s7 =	simm.s32 $0x0;
	s20 =	sshll.u32 s5, $0x1;
	s5 =	sadd.s32 s21, s3  }
0x9d: {  	[timem:s7], [sflag:s22] =	dma.local [hbm:s5], s20  }
0x9e: {  	_ =	swait.ge [sflag:s22], s20  }
0x9f: {  	s4 =	ssub.s32 $0x0, s20;
	[sflag:s22] =	ssyncset.done $0x0  }
0xa0: {  	[sflag:s22] =	ssyncadd.s32 s4;
	_ =	sdelay $0x1  }
0xa1: {  	s23 =	simm.s32 $0x1B8B  }
0xa2: {  	_ =	swait.ge [sflag:s23], $0x1  }
0xa3: {  	[sflag:s23] =	ssyncset.done $0x0  }
0xa4: {  	s25 =	simm.s32 $0x1B8E;
	s24 =	sld [smem:$0x3FFE];
	[sflag:s23] =	ssyncadd.s32 $0xFFFFFFFF  }
0xa5: {  	s26 =	simm.s32 $execute0_lowered;
	[smem:$0x3FD2] =	sst s25  }
0xa6: {  	s5 =	sshll.u32 s26, $0x1;
	_ =	strace $0x8000004C;
	[dreg:$0x1] =	wrdreg $0xFFFFFFFF  }
0xa7: {  	s28 =	simm.s32 $_size_execute0_lowered;
	s3 =	sadd.s32 s3, s5;
	[dreg:$0x0] =	wrdreg $0x0  }
0xa8: {  	s5 =	sshll.u32 s28, $0x1;
	[dreg:$0x2] =	wrdreg s3  }
0xa9: {  	[dreg:$0x3] =	wrdreg s5  }
0xaa: {  	[dreg:$0x4] =	wrdreg $0xC0  }
0xab: {  	_ =	task [dreg:s7], $0x5FFFF  }
0xac: {  	[dreg:$0x1] =	wrdreg $0xFFFFFFFF  }
0xad: {  	[dreg:$0x0] =	wrdreg $0x60  }
0xae: {  	[dreg:$0x2] =	wrdreg s24  }
0xaf: {  	[dreg:$0x3] =	wrdreg s2  }
0xb0: {  	[dreg:$0x4] =	wrdreg $0x71000  }
0xb1: {  	[dreg:$0x5] =	wrdreg $0x9  }
0xb2: {  	_ =	task.clear_ibuf [dreg:s7], $0x6FFFF;
	_ =	strace $0x9000004C  }
0xb3: {  	s29 =	simm.s32 $0x9;
	_ =	strace $0x8000004E  }
0xb4: {  	_ =	swait.ge [sflag:s29], $0x1  }
0xb5: {  	[sflag:s29] =	ssyncadd.s32 $0xFFFFFFFF  }
0xb6: {  	_ =	strace $0x9000004E  }
0xb7: {  	_ =	sfence  }
0xb8: {  	s30 =	sld [smem:$0x0];
	_ =	sdelay $0x2  }
0xb9: {  	s31 =	sshll.u32 s1, $0xD;
	s1 =	sshrl.u32 s1, $0x2  }
0xba: {  	s3 =	sand.u32 $0x4000, s31;
	s1 =	sadd.s32 s1, s30  }
0xbb: {  	s0 =	sor.u32 s3, s0;
	s1 =	sshll.u32 s1, $0x11  }
0xbc: {  	s0 =	sor.u32 s1, s0  }
0xbd: {  	s0 =	sadd.s32 $0x8F2B, s0  }
0xbe: {  	[sflag:s0] =	ssyncadd.remote.s32 $0x1  }
0xbf: {  	_ =	sfence.sel $0xFFFF  }
0xc0: {  	[dreg:$0x0] =	wrdreg $0xFFFFFFFF;
	(pc) =	sbr.abs _section_cstart, $3  }
0xc1: {  	[dreg:$0x1] =	wrdreg $0xFFFFFFFF  }
0xc2: {  	_ =	task.clear_ibuf [dreg:s7], $0x2FFFF;
	_ =	strace $0x9FFFFFFF  }
0xc3: {  	(tm) =	ssettm $0x7FFFFFFF  }
tec
execute0_lowered:
.L_overlay_start_1:
0x0: {  	(tag) =	ssettag $0x1  }
0x1: {  	s5 =	rddreg [dreg:$0x0]  }
0x2: {  	s1 =	srdreg.scid;
	s6 =	rddreg [dreg:$0x1]  }
0x3: {  	s0 =	stileid.u32;
	s2 =	rddreg [dreg:$0x2]  }
0x4: {  	s3 =	simm.s32 $0x0;
	s14 =	simm.s32 $0x2;
	s15 =	simm.s32 $0x2880  }
0x5: {  	s16 =	simm.s32 $0x5100;
	s17 =	simm.s32 $0x80;
	s18 =	simm.s32 $0x1  }
0x6: {  	s21 =	simm.s32 $0x0;
	s4 =	sand.u32 $0x1, s1;
	s9 =	smul.u32 $0xA000, s0  }
0x7: {  	s29 =	sshll.u32 s0, $0x1;
	[smem:$0x7FF] =	sst s3;
	s12 =	smul.u32 $0x28000, s0  }
0x8: {  	s19 =	sshll.u32 s0, $0x6;
	s1 =	sor.u32 s4, s29;
	s8 =	smul.u32 $0xA0000, s4  }
0x9: {  	s11 =	ssub.s32 $0x2, s4;
	s4 =	sadd.s32 $0x15800, s5;
	s19 =	sor.u32 $0x1C02, s19  }
0xa: {  	s7 =	smul.u32 $0x510, s1;
	s1 =	rddreg [dreg:$0x3];
	_ =	strace $0x8000004D  }
0xb: {  	s30 =	sshrl.u32 s11, $0x1;
	s31 =	sshrl.u32 s12, $0x2;
	s20 =	sadd.s32 s9, s2  }
0xc: {  	s8 =	sadd.s32 s9, s8;
	s11 =	ssub.s32 s11, s30;
	s20 =	sshrl.u32 s20, $0x3  }
0xd: {  	s10 =	sadd.s32 s7, s5;
	s8 =	sshrl.u32 s8, $0x3;
	s6 =	sadd.s32 s6, s7  }
0xe: {  	s7 =	sadd.s32 s31, s2;
	s9 =	smax.u32 s11, $0x1;
	s8 =	sadd.s32 s8, s5  }
0xf: {  	s5 =	sadd.s32 $0xB600, s10;
	s10 =	sadd.s32 $0x2000, s7;
	s11 =	sadd.s32 $0x4000, s7  }
0x10: {  	v0 =	vimm.f32 $0.0e+00;
	s12 =	sadd.s32 $0x6000, s7;
	s13 =	sadd.s32 $0x8000, s7;
	s8 =	sadd.s32 $0x29800, s8  }
.LBB2_1:
0x11: {  	[tilespmem:s3], [sflag:$0x2] =	stream.linear.gather [hbm4b:s5+s3], $0x2880, $0x38;
	[tilespmem:$0x11100] =	vst v63  }
0x12: {  	_ =	swait.ge [sflag:s14], $0x2880  }
0x13: {  	[sflag:s14] =	ssyncset.done $0x0  }
0x14: {  	[sflag:s14] =	ssyncadd.s32 $0xFFFFD780  }
0x15: {  	[tilespmem:s15], [sflag:$0x2] =	stream.linear.gather [hbm4b:s6+s3], $0x2880, $0x38;
	[tilespmem:$0x11100] =	vst v63  }
0x16: {  	s22 =	sand.u32 $0x7F00, s3;
	s23 =	sand.u32 $0x30, s3;
	_ =	swait.ge [sflag:s14], $0x2880  }
0x17: {  	s24 =	sshrl.u32 s22, $0x2;
	s22 =	simm.s32 $0x40;
	[sflag:s14] =	ssyncset.done $0x0  }
0x18: {  	s24 =	sor.u32 s23, s24;
	s23 =	simm.s32 $0x0;
	[sflag:s14] =	ssyncadd.s32 $0xFFFFD780  }
.LBB2_2:
0x19: {  	p0 =	sne.s32 s22, $0x7FC0  }
0x1a: {  	[tilespmem:s24+$0x5100] =	vst v0;
	s23 =	sadd.s32 $0x10, s23;
	s24 =	smov.u32 s22;
	s22 =	sadd.s32 $0x40, s22  }
.Ltmp0:
0x1b: {  	(pc) =	sbr.rel @p0 .LBB2_2-.Ltmp0, $4  }
0x1c: {  	_ = 	snop  }
0x1d: {  	s24 =	sand.u32 $0x7F00, s24  }
0x1e: {  	s25 =	sand.u32 $0x30, s23;
	s24 =	sshrl.u32 s24, $0x2  }
0x1f: {  	s24 =	sor.u32 s25, s24  }
0x20: {  	[tilespmem:s24+$0x5100] =	vst v0  }
0x21: {  	[spmem:s7] =	stream.linear.scatter [tilespmem:s16], [sflag:$0x2], $0x2000, $0x38;
	[tilespmem:$0x11100] =	vst v63  }
0x22: {  	_ =	swait.ge [sflag:s14], $0x2000  }
0x23: {  	[sflag:s14] =	ssyncset.done $0x0  }
0x24: {  	[sflag:s14] =	ssyncadd.s32 $0xFFFFE000  }
0x25: {  	[spmem:s10] =	stream.linear.scatter [tilespmem:s16], [sflag:$0x2], $0x2000, $0x38;
	[tilespmem:$0x11100] =	vst v63  }
0x26: {  	_ =	swait.ge [sflag:s14], $0x2000  }
0x27: {  	[sflag:s14] =	ssyncset.done $0x0  }
0x28: {  	[sflag:s14] =	ssyncadd.s32 $0xFFFFE000  }
0x29: {  	[spmem:s11] =	stream.linear.scatter [tilespmem:s16], [sflag:$0x2], $0x2000, $0x38;
	[tilespmem:$0x11100] =	vst v63  }
0x2a: {  	_ =	swait.ge [sflag:s14], $0x2000  }
0x2b: {  	[sflag:s14] =	ssyncset.done $0x0  }
0x2c: {  	[sflag:s14] =	ssyncadd.s32 $0xFFFFE000  }
0x2d: {  	[spmem:s12] =	stream.linear.scatter [tilespmem:s16], [sflag:$0x2], $0x2000, $0x38;
	[tilespmem:$0x11100] =	vst v63  }
0x2e: {  	_ =	swait.ge [sflag:s14], $0x2000  }
0x2f: {  	[sflag:s14] =	ssyncset.done $0x0  }
0x30: {  	[sflag:s14] =	ssyncadd.s32 $0xFFFFE000  }
0x31: {  	[spmem:s13] =	stream.linear.scatter [tilespmem:s16], [sflag:$0x2], $0x2000, $0x38;
	[tilespmem:$0x11100] =	vst v63  }
0x32: {  	_ =	swait.ge [sflag:s14], $0x2000  }
0x33: {  	[sflag:s14] =	ssyncset.done $0x0  }
0x34: {  	[sflag:s14] =	ssyncadd.s32 $0xFFFFE000  }
0x35: {  	s22 =	simm.s32 $0x0;
	[bflag:$0x0] =	sbarrier.arrive $0xFFFF  }
0x36: {  	[tilespmem:s16], [sflag:$0x1] =	stream.indirect.gather [hbm4b:s4+s17], $0x40, s22, s17, $0xb8;
	[tilespmem:$0x11100] =	vst v63  }
0x37: {  	_ =	swait.ge [sflag:s18], $0x2000  }
0x38: {  	[sflag:s18] =	ssyncset.done $0x0  }
0x39: {  	s31 =	simm.s32 $0x2880;
	[sflag:s18] =	ssyncadd.s32 $0xFFFFE000  }
0x3a: {  	[spmem:s2] =	stream.indirect.scatter.add.f32 [tilespmem:s16], [sflag:$0x2], $0x40, s31, s17, $0xb8;
	[tilespmem:$0x11100] =	vst v63  }
0x3b: {  	_ =	swait.ge [sflag:s14], $0x2000  }
0x3c: {  	s23 =	simm.s32 $0x400;
	s22 =	simm.s32 $0x200;
	[sflag:s14] =	ssyncset.done $0x0  }
.LBB2_4:
0x3d: {  	s24 =	sshra.s32 s22, $0x2  }
0x3e: {  	[sflag:s14] =	ssyncadd.s32 $0xFFFFE000;
	s22 =	smov.u32 s23;
	s25 =	sadd.s32 $0x200, s23  }
0x3f: {  	[tilespmem:s16], [sflag:$0x1] =	stream.indirect.gather [hbm4b:s4+s17], $0x40, s24, s17, $0xb8;
	[tilespmem:$0x11100] =	vst v63  }
0x40: {  	p0 =	sne.s32 s23, $0xA000;
	_ =	swait.ge [sflag:s18], $0x2000  }
.Ltmp1:
0x41: {  	[sflag:s18] =	ssyncset.done $0x0;
	(pc) =	sbr.rel @p0 .LBB2_4-.Ltmp1, $4  }
0x42: {  	s23 =	sadd.s32 $0x2880, s24;
	[sflag:s18] =	ssyncadd.s32 $0xFFFFE000  }
0x43: {  	[spmem:s2] =	stream.indirect.scatter.add.f32 [tilespmem:s16], [sflag:$0x2], $0x40, s23, s17, $0xb8;
	[tilespmem:$0x11100] =	vst v63  }
0x44: {  	_ =	swait.ge [sflag:s14], $0x2000  }
0x45: {  	s23 =	smov.u32 s25;
	[sflag:s14] =	ssyncset.done $0x0  }
0x46: {  	s22 =	sshra.s32 s22, $0x2;
	[sflag:s14] =	ssyncadd.s32 $0xFFFFE000  }
0x47: {  	[tilespmem:s16], [sflag:$0x1] =	stream.indirect.gather [hbm4b:s4+s17], $0x40, s22, s17, $0xb8;
	[tilespmem:$0x11100] =	vst v63  }
0x48: {  	_ =	swait.ge [sflag:s18], $0x2000  }
0x49: {  	[sflag:s18] =	ssyncset.done $0x0  }
0x4a: {  	s22 =	sadd.s32 $0x2880, s22;
	[sflag:s18] =	ssyncadd.s32 $0xFFFFE000  }
0x4b: {  	[spmem:s2] =	stream.indirect.scatter.add.f32 [tilespmem:s16], [sflag:$0x2], $0x40, s22, s17, $0xb8;
	[tilespmem:$0x11100] =	vst v63  }
0x4c: {  	_ =	swait.ge [sflag:s14], $0x2000  }
0x4d: {  	s21 =	sadd.s32 $0x1, s21;
	[sflag:s14] =	ssyncset.done $0x0  }
0x4e: {  	p0 =	sne.s32 s21, s9;
	[sflag:s14] =	ssyncadd.s32 $0xFFFFE000  }
.Ltmp2:
0x4f: {  	[bflag:$0x0] =	sbarrier.arrive $0xFFFF;
	(pc) =	sbr.rel @p0 .LBB2_1-.Ltmp2, $4  }
0x50: {  	[hbm:s8], [sflag:s19] =	dma.local [spmem:s20], $0x1400  }
0x51: {  	_ =	swait.ge [sflag:s14], $0x1400  }
0x52: {  	[sflag:s14] =	ssyncset.done $0x0  }
0x53: {  	[sflag:s14] =	ssyncadd.s32 $0xFFFFEC00  }
0x54: {  	_ =	sfence.sel $0x180000  }
0x55: {  	[bflag:$0x0] =	sbarrier.arrive $0xFFFF  }
0x56: {  	p0 =	sne.s32 s0, $0x0;
	_ =	strace $0x9000004D  }
0x57: {  	s0 =	sadd.s32 @!p0 $0x100000, s1;
	[bflag:$0x2] =	sbarrier.arrive $0xFFFF  }
0x58: {  	[sflag:s0] =	ssyncadd.tile.s32 @!p0 $0x1;
	_ =	shalt  }
.Lfunc_end2:
_tile_overlayer_lowered:
.L_overlay_start_2:
0x59: {  	(tag) =	ssettag $0x2  }
0x5a: {  	s0 =	rddreg [dreg:$0x0];
	s2 =	stileid.u32  }
0x5b: {  	s1 =	rddreg [dreg:$0x1];
	p0 =	sne.s32 s2, $0x0  }
0x5c: {  	s3 =	rddreg [dreg:$0x2];
	[bflag:$0x3] =	sbarrier.arrive $0xFFFF;
	s2 =	simm.s32 @!p0 $0x1C02  }
0x5d: {  	[timem:s3], [sflag:s2] =	dma.local @!p0 [hbm:s0], s1  }
0x5e: {  	s0 =	simm.s32 @!p0 $0x2  }
0x5f: {  	_ =	swait.ge @!p0 [sflag:s0], s1  }
0x60: {  	s1 =	ssub.s32 @!p0 $0x0, s1;
	[sflag:s0] =	ssyncset.done @!p0 $0x0  }
0x61: {  	[sflag:s0] =	ssyncadd.s32 @!p0 s1  }
0x62: {  	[bflag:$0x3] =	sbarrier.arrive $0xFFFF  }
0x63: {  	_ =	shalt  }

// kernel: kernel.8.cloned.1.call-start
scs
__scs_entry_jumppad:
0x0: {  	(pc) =	sbr.rel $0x88, $3  }
0x1: {  	(tag) =	ssettag $0x0;
	lr =	simm.s32 $0x1  }
0x2: {  	[smem:$0x3F9B] =	sst lr;
	_ =	strace $0xD0000000  }
0x3: {  	_ = 	snop  }
0x4: {  	_ = 	snop  }
0x5: {  	_ = 	snop  }
0x6: {  	_ = 	snop  }
0x7: {  	_ = 	snop  }
__scs_overlays_trampoline_lowered:
0x8: {  	[smem:$0x3FAA] =	sst s0  }
0x9: {  	[smem:$0x3FAB] =	sst s1  }
0xa: {  	[smem:$0x3FAC] =	sst s2  }
0xb: {  	[smem:$0x3FAD] =	sst s3  }
0xc: {  	[smem:$0x3FAE] =	sst s4  }
0xd: {  	[smem:$0x3FAF] =	sst s5  }
0xe: {  	[smem:$0x3FB0] =	sst s6  }
0xf: {  	[smem:$0x3FB1] =	sst s7  }
0x10: {  	[smem:$0x3FB2] =	sst s8  }
0x11: {  	[smem:$0x3FB3] =	sst s9;
	s0 =	simm.s32 @!p0 $0x0  }
0x12: {  	s1 =	sld [smem:$0x3F99];
	s0 =	simm.s32 @p0 $0x1  }
0x13: {  	[smem:$0x3FB4] =	sst s0;
	s0 =	simm.s32 @!p1 $0x0  }
0x14: {  	s2 =	sld [smem:$0x3F98];
	s0 =	simm.s32 @p1 $0x1  }
0x15: {  	[smem:$0x3FB5] =	sst s0;
	s0 =	simm.s32 @!p2 $0x0  }
0x16: {  	s3 =	sld [smem:$0x3FDB];
	s0 =	simm.s32 @p2 $0x1  }
0x17: {  	s4 =	simm.s32 $0x1BF5;
	[smem:$0x3FB7] =	sst s0  }
0x18: {  	s0 =	sld [smem:$0x3F9A];
	_ =	swait.ge [sflag:s4], $0x0  }
0x19: {  	s7 =	sld [smem:$0x3F9B]  }
0x1a: {  	s8 =	sadd.s32 $0xFFFFE003, lr  }
0x1b: {  	s9 =	sadd.s32 $0xFFFFFEF7, lr;
	s5 =	simm.s32 $0xFFFFFFFF;
	p2 =	slt.u32 s8, $0xFFFFF086  }
0x1c: {  	p1 =	slt.u32 s9, $0xF7A;
	s5 =	simm.s32 @!p2 $0x0  }
0x1d: {  	s5 =	simm.s32 @p1 $0x1;
	p0 =	seq.s32 s7, s2  }
0x1e: {  	s7 =	smul.u32 @!p0 $0xF7A, s2;
	p2 =	seq.s32 @!p0 s5, $0x0  }
0x1f: {  	s9 =	smul.u32 $0xF7A, s1;
	s8 =	simm.s32 @!p0 $0x1BF5;
	p2 =	por !p2, p0  }
0x20: {  	[sflag:s8] =	ssyncset.s32 @!p0 $0xFFFFF086;
	s6 =	sadd.s32 @!p0 s3, s7;
	s7 =	simm.s32 @!p0 $0x108  }
0x21: {  	s3 =	sadd.s32 s3, s9;
	s6 =	sadd.s32 @!p0 $0x88, s6;
	s7 =	simm.s32 @p2 $0x1082  }
0x22: {  	[simem:s7], [sflag:s8] =	dma.local @!p0 [hbm:s6], $0xF7A  }
0x23: {  	s9 =	sor.u32 $0xD0000000, s2;
	s6 =	simm.s32 $0x108;
	_ =	swait.ge @!p0 [sflag:s8], $0x0  }
0x24: {  	s3 =	sadd.s32 $0x88, s3;
	s6 =	simm.s32 @!p1 $0x1082;
	[sflag:s4] =	ssyncset.s32 $0xFFFFF086  }
0x25: {  	[simem:s6], [sflag:s4] =	dma.local [hbm:s3], $0xF7A  }
0x26: {  	[smem:$0x3F9B] =	sst s1;
	(tag) =	ssettag s2;
	_ =	strace s9  }
0x27: {  	s1 =	sld [smem:$0x3FAB]  }
0x28: {  	s2 =	sld [smem:$0x3FAC]  }
0x29: {  	s4 =	sld [smem:$0x3FAE]  }
0x2a: {  	p0 =	seq.s32 s5, $0x0;
	s5 =	sld [smem:$0x3FAF]  }
0x2b: {  	s6 =	sld [smem:$0x3FB0]  }
0x2c: {  	s7 =	sld [smem:$0x3FB1]  }
0x2d: {  	s3 =	simm.s32 $0x108;
	s8 =	sld [smem:$0x3FB2]  }
0x2e: {  	s3 =	simm.s32 @!p0 $0x1082;
	s9 =	sld [smem:$0x3FB3]  }
0x2f: {  	lr =	sadd.s32 s0, s3;
	s0 =	sld [smem:$0x3FAA]  }
0x30: {  	s3 =	sld [smem:$0x3FAD]  }
0x31: {  	[smem:$0x3FB6] =	sst s10  }
0x32: {  	s10 =	sld [smem:$0x3FB4];
	_ =	sdelay $0x3  }
0x33: {  	p0 =	seq.s32 s10, $0x1;
	s10 =	sld [smem:$0x3FB6];
	_ =	sdelay $0x3  }
0x34: {  	[smem:$0x3FB6] =	sst s10  }
0x35: {  	s10 =	sld [smem:$0x3FB5];
	_ =	sdelay $0x3  }
0x36: {  	p1 =	seq.s32 s10, $0x1;
	s10 =	sld [smem:$0x3FB6];
	_ =	sdelay $0x3  }
0x37: {  	[smem:$0x3FB6] =	sst s10  }
0x38: {  	s10 =	sld [smem:$0x3FB7]  }
0x39: {  	_ = 	snop;
	(pc) =	sbr.ind lr, $3  }
0x3a: {  	_ = 	snop  }
0x3b: {  	_ = 	snop  }
0x3c: {  	p2 =	seq.s32 s10, $0x1;
	s10 =	sld [smem:$0x3FB6]  }
0x3d: {  	_ =	shalt  }
0x3e: {  	_ =	shalt  }
0x3f: {  	_ =	shalt  }
0x40: {  	_ =	shalt  }
0x41: {  	_ =	shalt  }
0x42: {  	_ =	shalt  }
0x43: {  	_ =	shalt  }
0x44: {  	_ =	shalt  }
0x45: {  	_ =	shalt  }
0x46: {  	_ =	shalt  }
0x47: {  	_ =	shalt  }
0x48: {  	_ =	shalt  }
0x49: {  	_ =	shalt  }
0x4a: {  	_ =	shalt  }
0x4b: {  	_ =	shalt  }
0x4c: {  	_ =	shalt  }
0x4d: {  	_ =	shalt  }
0x4e: {  	_ =	shalt  }
0x4f: {  	_ =	shalt  }
0x50: {  	_ =	shalt  }
0x51: {  	_ =	shalt  }
0x52: {  	_ =	shalt  }
0x53: {  	_ =	shalt  }
0x54: {  	_ =	shalt  }
0x55: {  	_ =	shalt  }
0x56: {  	_ =	shalt  }
0x57: {  	_ =	shalt  }
0x58: {  	_ =	shalt  }
0x59: {  	_ =	shalt  }
0x5a: {  	_ =	shalt  }
0x5b: {  	_ =	shalt  }
0x5c: {  	_ =	shalt  }
0x5d: {  	_ =	shalt  }
0x5e: {  	_ =	shalt  }
0x5f: {  	_ =	shalt  }
0x60: {  	_ =	shalt  }
0x61: {  	_ =	shalt  }
0x62: {  	_ =	shalt  }
0x63: {  	_ =	shalt  }
0x64: {  	_ =	shalt  }
0x65: {  	_ =	shalt  }
0x66: {  	_ =	shalt  }
0x67: {  	_ =	shalt  }
0x68: {  	_ =	shalt  }
0x69: {  	_ =	shalt  }
0x6a: {  	_ =	shalt  }
0x6b: {  	_ =	shalt  }
0x6c: {  	_ =	shalt  }
0x6d: {  	_ =	shalt  }
0x6e: {  	_ =	shalt  }
0x6f: {  	_ =	shalt  }
0x70: {  	_ =	shalt  }
0x71: {  	_ =	shalt  }
0x72: {  	_ =	shalt  }
0x73: {  	_ =	shalt  }
0x74: {  	_ =	shalt  }
0x75: {  	_ =	shalt  }
0x76: {  	_ =	shalt  }
0x77: {  	_ =	shalt  }
0x78: {  	_ =	shalt  }
0x79: {  	_ =	shalt  }
0x7a: {  	_ =	shalt  }
0x7b: {  	_ =	shalt  }
0x7c: {  	_ =	shalt  }
0x7d: {  	_ =	shalt  }
0x7e: {  	_ =	shalt  }
0x7f: {  	_ =	shalt  }
0x80: {  	_ =	shalt  }
0x81: {  	_ =	shalt  }
0x82: {  	_ =	shalt  }
0x83: {  	_ =	shalt  }
0x84: {  	_ =	shalt  }
0x85: {  	_ =	shalt  }
0x86: {  	_ =	shalt  }
0x87: {  	_ =	shalt  }
.Lfunc_end0:
.L_simem_size_0:
called_computation_lowered:
.L_overlay_start_0:
0x88: {  	s2 =	sld [smem:$0x3FD9]  }
0x89: {  	s3 =	sld [smem:$0x3FFE];
	_ =	sdelay $0x1  }
0x8a: {  	s1 =	srdreg.scid  }
0x8b: {  	s0 =	sand.u32 $0x1, s1  }
0x8c: {  	s17 =	sshll.u32 s0, $0xA;
	s2 =	sadd.s32 s3, s2  }
0x8d: {  	s2 =	sadd.s32 s2, s17  }
0x8e: {  	[smem:$0x3FC2] =	sst s2  }
0x8f: {  	_ = 	snop  }
0x90: {  	s2 =	sld [smem:$0x3FD0];
	(tm) =	ssettm $0x1  }
0x91: {  	s18 =	sld [smem:$0x3FFB];
	_ =	sdelay $0x3  }
0x92: {  	_ =	strace s18  }
0x93: {  	s3 =	sld [smem:$0x3FFC];
	_ =	sdelay $0x3  }
0x94: {  	_ =	strace s3  }
0x95: {  	s3 =	sld [smem:$0x3FFD];
	_ =	sdelay $0x3  }
0x96: {  	_ =	strace s3  }
0x97: {  	_ =	strace $0x8FFFFFFF  }
0x98: {  	s19 =	sld [smem:$0x3FDB];
	_ =	sdelay $0x1  }
0x99: {  	s4 =	simm.s32 $_scs_section_size  }
0x9a: {  	s5 =	simm.s32 $_size__tile_overlayer_lowered;
	s6 =	simm.s32 $_tile_overlayer_lowered  }
0x9b: {  	s22 =	simm.s32 $0x1BFF;
	s21 =	sshll.u32 s6, $0x1;
	s3 =	sadd.s32 s4, s19  }
0x9c: {  	s7 =	simm.s32 $0x0;
	s20 =	sshll.u32 s5, $0x1;
	s5 =	sadd.s32 s21, s3  }
0x9d: {  	[timem:s7], [sflag:s22] =	dma.local [hbm:s5], s20  }
0x9e: {  	_ =	swait.ge [sflag:s22], s20  }
0x9f: {  	s4 =	ssub.s32 $0x0, s20;
	[sflag:s22] =	ssyncset.done $0x0  }
0xa0: {  	[sflag:s22] =	ssyncadd.s32 s4;
	_ =	sdelay $0x1  }
0xa1: {  	s23 =	simm.s32 $0x1B8B  }
0xa2: {  	_ =	swait.ge [sflag:s23], $0x1  }
0xa3: {  	[sflag:s23] =	ssyncset.done $0x0  }
0xa4: {  	s25 =	simm.s32 $0x1B8E;
	s24 =	sld [smem:$0x3FFE];
	[sflag:s23] =	ssyncadd.s32 $0xFFFFFFFF  }
0xa5: {  	s26 =	simm.s32 $execute0_lowered;
	[smem:$0x3FD2] =	sst s25  }
0xa6: {  	s5 =	sshll.u32 s26, $0x1;
	_ =	strace $0x80000046;
	[dreg:$0x1] =	wrdreg $0xFFFFFFFF  }
0xa7: {  	s28 =	simm.s32 $_size_execute0_lowered;
	s3 =	sadd.s32 s3, s5;
	[dreg:$0x0] =	wrdreg $0x0  }
0xa8: {  	s5 =	sshll.u32 s28, $0x1;
	[dreg:$0x2] =	wrdreg s3  }
0xa9: {  	[dreg:$0x3] =	wrdreg s5  }
0xaa: {  	[dreg:$0x4] =	wrdreg $0xC0  }
0xab: {  	_ =	task [dreg:s7], $0x5FFFF  }
0xac: {  	[dreg:$0x1] =	wrdreg $0xFFFFFFFF  }
0xad: {  	[dreg:$0x0] =	wrdreg $0x60  }
0xae: {  	[dreg:$0x2] =	wrdreg s2  }
0xaf: {  	[dreg:$0x3] =	wrdreg s24  }
0xb0: {  	[dreg:$0x4] =	wrdreg $0x38800  }
0xb1: {  	[dreg:$0x5] =	wrdreg $0x9  }
0xb2: {  	_ =	task.clear_ibuf [dreg:s7], $0x6FFFF;
	_ =	strace $0x90000046  }
0xb3: {  	s29 =	simm.s32 $0x9;
	_ =	strace $0x80000048  }
0xb4: {  	_ =	swait.ge [sflag:s29], $0x1  }
0xb5: {  	[sflag:s29] =	ssyncadd.s32 $0xFFFFFFFF  }
0xb6: {  	_ =	strace $0x90000048  }
0xb7: {  	_ =	sfence  }
0xb8: {  	s30 =	sld [smem:$0x0];
	_ =	sdelay $0x2  }
0xb9: {  	s31 =	sshll.u32 s1, $0xD;
	s1 =	sshrl.u32 s1, $0x2  }
0xba: {  	s3 =	sand.u32 $0x4000, s31;
	s1 =	sadd.s32 s1, s30  }
0xbb: {  	s0 =	sor.u32 s3, s0;
	s1 =	sshll.u32 s1, $0x11  }
0xbc: {  	s0 =	sor.u32 s1, s0  }
0xbd: {  	s0 =	sadd.s32 $0x8F2B, s0  }
0xbe: {  	[sflag:s0] =	ssyncadd.remote.s32 $0x1  }
0xbf: {  	_ =	sfence.sel $0xFFFF  }
0xc0: {  	[dreg:$0x0] =	wrdreg $0xFFFFFFFF;
	(pc) =	sbr.abs _section_cstart, $3  }
0xc1: {  	[dreg:$0x1] =	wrdreg $0xFFFFFFFF  }
0xc2: {  	_ =	task.clear_ibuf [dreg:s7], $0x2FFFF;
	_ =	strace $0x9FFFFFFF  }
0xc3: {  	(tm) =	ssettm $0x7FFFFFFF  }
tec
execute0_lowered:
.L_overlay_start_1:
0x0: {  	(tag) =	ssettag $0x1  }
0x1: {  	s4 =	rddreg [dreg:$0x0]  }
0x2: {  	s5 =	rddreg [dreg:$0x1]  }
0x3: {  	s1 =	rddreg [dreg:$0x2];
	s2 =	srdreg.scid  }
0x4: {  	s0 =	rddreg [dreg:$0x3];
	s3 =	simm.s32 $0x0;
	s12 =	simm.s32 $0x1  }
0x5: {  	s13 =	simm.s32 $0x2880;
	s14 =	simm.s32 $0x80;
	s6 =	sand.u32 $0x1, s2  }
0x6: {  	s15 =	simm.s32 $0x3080;
	s2 =	stileid.u32;
	s7 =	smul.u32 $0x28000, s6  }
0x7: {  	s18 =	simm.s32 $0x0;
	[smem:$0x7FF] =	sst s3;
	s8 =	smul.u32 $0x2800, s2  }
0x8: {  	_ =	strace $0x80000047;
	s9 =	sshll.u32 s2, $0x1;
	s10 =	smul.u32 $0xA000, s2  }
0x9: {  	s16 =	sshll.u32 s2, $0x6;
	s9 =	sor.u32 s6, s9;
	s6 =	ssub.s32 $0x2, s6  }
0xa: {  	s16 =	sor.u32 $0x1C01, s16;
	s7 =	sadd.s32 s8, s7;
	s9 =	smul.u32 $0x510, s9  }
0xb: {  	s31 =	sshrl.u32 s6, $0x1;
	s10 =	sshrl.u32 s10, $0x2;
	s17 =	sadd.s32 s8, s1  }
0xc: {  	s7 =	sshrl.u32 s7, $0x3;
	s11 =	ssub.s32 s6, s31;
	s17 =	sshrl.u32 s17, $0x3  }
0xd: {  	s7 =	sadd.s32 s7, s5;
	s4 =	sadd.s32 s4, s9;
	s5 =	sadd.s32 s10, s1  }
0xe: {  	s6 =	sadd.s32 $0x1600, s7;
	s7 =	smax.u32 s11, $0x1;
	s8 =	sadd.s32 $0x800, s5  }
0xf: {  	v0 =	vimm.f32 $0.0e+00;
	v1 =	vimm.f32 $1.000000000e+00;
	s9 =	sadd.s32 $0x1000, s5;
	s10 =	sadd.s32 $0x1800, s5;
	s11 =	sadd.s32 $0x2000, s5  }
.LBB2_1:
0x10: {  	[tilespmem:s3], [sflag:$0x1] =	stream.linear.gather [hbm4b:s4+s3], $0x2880, $0x38;
	[tilespmem:$0x6080] =	vst v63  }
0x11: {  	_ =	swait.ge [sflag:s12], $0x2880  }
0x12: {  	[sflag:s12] =	ssyncset.done $0x0  }
0x13: {  	s19 =	simm.s32 $0x40;
	s20 =	simm.s32 $0x0;
	[sflag:s12] =	ssyncadd.s32 $0xFFFFD780  }
.LBB2_2:
0x14: {  	p0 =	sne.s32 s19, $0x1FC0;
	[tilespmem:s20+$0x2880] =	vst v0;
	s21 =	smov.u32 s19;
	s19 =	sadd.s32 $0x40, s19  }
.Ltmp0:
0x15: {  	[tilespmem:s20+$0x3080] =	vst v1;
	(pc) =	sbr.rel @p0 .LBB2_2-.Ltmp0, $2  }
0x16: {  	_ =	sdelay $0x2  }
0x17: {  	s20 =	sshra.s32 s21, $0x2  }
0x18: {  	[tilespmem:s20+$0x2880] =	vst v0  }
0x19: {  	[tilespmem:s20+$0x3080] =	vst v1  }
0x1a: {  	[spmem:s5] =	stream.linear.scatter [tilespmem:s13], [sflag:$0x1], $0x800, $0x38;
	[tilespmem:$0x6080] =	vst v63  }
0x1b: {  	_ =	swait.ge [sflag:s12], $0x800  }
0x1c: {  	[sflag:s12] =	ssyncset.done $0x0  }
0x1d: {  	[sflag:s12] =	ssyncadd.s32 $0xFFFFF800  }
0x1e: {  	[spmem:s8] =	stream.linear.scatter [tilespmem:s13], [sflag:$0x1], $0x800, $0x38;
	[tilespmem:$0x6080] =	vst v63  }
0x1f: {  	_ =	swait.ge [sflag:s12], $0x800  }
0x20: {  	[sflag:s12] =	ssyncset.done $0x0  }
0x21: {  	[sflag:s12] =	ssyncadd.s32 $0xFFFFF800  }
0x22: {  	[spmem:s9] =	stream.linear.scatter [tilespmem:s13], [sflag:$0x1], $0x800, $0x38;
	[tilespmem:$0x6080] =	vst v63  }
0x23: {  	_ =	swait.ge [sflag:s12], $0x800  }
0x24: {  	[sflag:s12] =	ssyncset.done $0x0  }
0x25: {  	[sflag:s12] =	ssyncadd.s32 $0xFFFFF800  }
0x26: {  	[spmem:s10] =	stream.linear.scatter [tilespmem:s13], [sflag:$0x1], $0x800, $0x38;
	[tilespmem:$0x6080] =	vst v63  }
0x27: {  	_ =	swait.ge [sflag:s12], $0x800  }
0x28: {  	[sflag:s12] =	ssyncset.done $0x0  }
0x29: {  	[sflag:s12] =	ssyncadd.s32 $0xFFFFF800  }
0x2a: {  	[spmem:s11] =	stream.linear.scatter [tilespmem:s13], [sflag:$0x1], $0x800, $0x38;
	[tilespmem:$0x6080] =	vst v63  }
0x2b: {  	_ =	swait.ge [sflag:s12], $0x800  }
0x2c: {  	[sflag:s12] =	ssyncset.done $0x0  }
0x2d: {  	[sflag:s12] =	ssyncadd.s32 $0xFFFFF800  }
0x2e: {  	s19 =	simm.s32 $0x0;
	[bflag:$0x0] =	sbarrier.arrive $0xFFFF  }
0x2f: {  	[spmem:s1] =	stream.indirect.scatter.add.f32 [tilespmem:s15], [sflag:$0x1], $0x10, s19, s14, $0xb8;
	[tilespmem:$0x6080] =	vst v63  }
0x30: {  	_ =	swait.ge [sflag:s12], $0x800  }
0x31: {  	s19 =	simm.s32 $0x200;
	[sflag:s12] =	ssyncset.done $0x0  }
.LBB2_4:
0x32: {  	s20 =	sshra.s32 s19, $0x2;
	[sflag:s12] =	ssyncadd.s32 $0xFFFFF800;
	p0 =	sne.s32 s19, $0xA000  }
0x33: {  	[spmem:s1] =	stream.indirect.scatter.add.f32 [tilespmem:s15], [sflag:$0x1], $0x10, s20, s14, $0xb8;
	[tilespmem:$0x6080] =	vst v63  }
.Ltmp1:
0x34: {  	_ = 	snop;
	(pc) =	sbr.rel @p0 .LBB2_4-.Ltmp1, $4  }
0x35: {  	_ = 	snop  }
0x36: {  	s19 =	sadd.s32 $0x200, s19  }
0x37: {  	_ =	swait.ge [sflag:s12], $0x800  }
0x38: {  	[sflag:s12] =	ssyncset.done $0x0  }
0x39: {  	s18 =	sadd.s32 $0x1, s18  }
0x3a: {  	[sflag:s12] =	ssyncadd.s32 $0xFFFFF800;
	p0 =	sne.s32 s18, s7  }
.Ltmp2:
0x3b: {  	[bflag:$0x0] =	sbarrier.arrive $0xFFFF;
	(pc) =	sbr.rel @p0 .LBB2_1-.Ltmp2, $4  }
0x3c: {  	[hbm:s6], [sflag:s16] =	dma.local [spmem:s17], $0x500  }
0x3d: {  	_ =	swait.ge [sflag:s12], $0x500  }
0x3e: {  	[sflag:s12] =	ssyncset.done $0x0  }
0x3f: {  	[sflag:s12] =	ssyncadd.s32 $0xFFFFFB00  }
0x40: {  	_ =	sfence.sel $0x180000  }
0x41: {  	[bflag:$0x0] =	sbarrier.arrive $0xFFFF  }
0x42: {  	p0 =	sne.s32 s2, $0x0;
	_ =	strace $0x90000047  }
0x43: {  	s0 =	sadd.s32 @!p0 $0x100000, s0;
	[bflag:$0x2] =	sbarrier.arrive $0xFFFF  }
0x44: {  	[sflag:s0] =	ssyncadd.tile.s32 @!p0 $0x1;
	_ =	shalt  }
.Lfunc_end2:
_tile_overlayer_lowered:
.L_overlay_start_2:
0x45: {  	(tag) =	ssettag $0x2  }
0x46: {  	s0 =	rddreg [dreg:$0x0];
	s2 =	stileid.u32  }
0x47: {  	s1 =	rddreg [dreg:$0x1];
	p0 =	sne.s32 s2, $0x0  }
0x48: {  	s3 =	rddreg [dreg:$0x2];
	[bflag:$0x3] =	sbarrier.arrive $0xFFFF;
	s2 =	simm.s32 @!p0 $0x1C01  }
0x49: {  	[timem:s3], [sflag:s2] =	dma.local @!p0 [hbm:s0], s1  }
0x4a: {  	s0 =	simm.s32 @!p0 $0x1  }
0x4b: {  	_ =	swait.ge @!p0 [sflag:s0], s1  }
0x4c: {  	s1 =	ssub.s32 @!p0 $0x0, s1;
	[sflag:s0] =	ssyncset.done @!p0 $0x0  }
0x4d: {  	[sflag:s0] =	ssyncadd.s32 @!p0 s1  }
0x4e: {  	[bflag:$0x3] =	sbarrier.arrive $0xFFFF  }
0x4f: {  	_ =	shalt  }

</sc_bundles>
